<compile_context>
chip_gen: v7x
topology: tpu7x:2x2x1
jax: 0.10.2.dev20260603
libtpu: 0.0.44.dev20260713+nightly
codegen_flags: <defaults>
</compile_context>

<pallas_src>
import functools

import jax
import jax.numpy as jnp
from jax import lax
from jax.experimental import pallas as pl
from jax.experimental.pallas import tpu as pltpu
from jax.experimental.pallas import tpu_sc as plsc

EMBED = 128
HALF = EMBED // 2
NH, NM = 24, 12
NHP, NMP = 32, 16
NCOMBO = NH * NM

CH = 128
NB = 6
LOOKAHEAD = 3


def _prep_body(ht_ref, mt_ref, w_ref, b_ref, h_ref, m_ref, out_ref, idx_ref):
    idx_ref[...] = h_ref[...] * NM + m_ref[...]
    w = w_ref[...]
    hp = lax.dot_general(ht_ref[...], w[:, :HALF], (((1,), (1,)), ((), ())),
                         preferred_element_type=jnp.float32,
                         precision=lax.Precision.HIGHEST)
    mp = lax.dot_general(mt_ref[...], w[:, HALF:], (((1,), (1,)), ((), ())),
                         preferred_element_type=jnp.float32,
                         precision=lax.Precision.HIGHEST)
    rh = lax.broadcasted_iota(jnp.int32, (NCOMBO, NHP), 0)
    ch = lax.broadcasted_iota(jnp.int32, (NCOMBO, NHP), 1)
    oh_h = jnp.where(rh // NM == ch, 1.0, 0.0).astype(jnp.float32)
    rm = lax.broadcasted_iota(jnp.int32, (NCOMBO, NMP), 0)
    cm = lax.broadcasted_iota(jnp.int32, (NCOMBO, NMP), 1)
    oh_m = jnp.where(rm % NM == cm, 1.0, 0.0).astype(jnp.float32)
    out = lax.dot_general(oh_h, hp, (((1,), (0,)), ((), ())),
                          preferred_element_type=jnp.float32,
                          precision=lax.Precision.HIGHEST)
    out = out + lax.dot_general(oh_m, mp, (((1,), (0,)), ((), ())),
                                preferred_element_type=jnp.float32,
                                precision=lax.Precision.HIGHEST)
    out_ref[...] = out + b_ref[...]


def _build_prep(hour_table, month_table, W, b, hour, month):
    ht = jnp.zeros((NHP, HALF), jnp.float32).at[:NH].set(hour_table)
    mt = jnp.zeros((NMP, HALF), jnp.float32).at[:NM].set(month_table)
    return pl.pallas_call(
        _prep_body,
        out_shape=[jax.ShapeDtypeStruct((NCOMBO, EMBED), jnp.float32),
                   jax.ShapeDtypeStruct(hour.shape, jnp.int32)],
    )(ht, mt, W, b.reshape(1, EMBED), hour, month)


def _make_gather_kernel(n_tokens):
    info = plsc.get_sparse_core_info()
    nc, ns = info.num_cores, info.num_subcores
    nw = nc * ns
    npw = n_tokens // nw
    assert n_tokens % nw == 0 and npw % CH == 0
    nch = npw // CH
    assert nch > 2 * NB

    mesh = plsc.VectorSubcoreMesh(core_axis_name="c", subcore_axis_name="s")

    @functools.partial(
        pl.kernel,
        mesh=mesh,
        out_type=jax.ShapeDtypeStruct((n_tokens, EMBED), jnp.float32),
        scratch_types=[
            pltpu.VMEM((nch, CH), jnp.int32),
            pltpu.VMEM((NB, CH, EMBED), jnp.float32),
            pltpu.VMEM_SHARED((NCOMBO, EMBED), jnp.float32),
            pltpu.SemaphoreType.DMA,
            pltpu.SemaphoreType.DMA,
        ],
    )
    def gather_kernel(fused_hbm, idx_hbm, out_hbm, idx_v, rows_v, tbl_sh,
                      sem_g, sem_s):
        wid = lax.axis_index("s") * nc + lax.axis_index("c")
        base = wid * npw
        @pl.when(lax.axis_index("s") == 0)
        def _():
            pltpu.sync_copy(fused_hbm, tbl_sh)
        pltpu.sync_copy(idx_hbm.at[pl.ds(wid * nch, nch)], idx_v)
        plsc.subcore_barrier()

        def start_gather(g, slot_buf):
            pltpu.async_copy(tbl_sh.at[idx_v.at[g]], slot_buf, sem_g)

        def start_store(g, slot_buf):
            pltpu.async_copy(
                slot_buf, out_hbm.at[pl.ds(base + g * CH, CH)], sem_s)

        def wait_gather(slot_buf):
            pltpu.make_async_copy(fused_hbm.at[pl.ds(0, CH)], slot_buf,
                                  sem_g).wait()

        def wait_store(slot_buf):
            pltpu.make_async_copy(slot_buf, out_hbm.at[pl.ds(0, CH)],
                                  sem_s).wait()

        for g in range(LOOKAHEAD):
            start_gather(g, rows_v.at[g])
        for g in range(2):
            wait_gather(rows_v.at[g % NB])
            start_store(g, rows_v.at[g % NB])
            start_gather(g + LOOKAHEAD, rows_v.at[(g + LOOKAHEAD) % NB])

        def body(g, _):
            slot = lax.rem(g, NB)
            buf = rows_v.at[slot]
            nxt = rows_v.at[lax.rem(g + LOOKAHEAD, NB)]
            wait_gather(buf)
            start_store(g, buf)
            wait_store(buf)
            start_gather(g + LOOKAHEAD, nxt)
            return 0
        lax.fori_loop(2, nch - LOOKAHEAD, body, 0)

        for k in range(LOOKAHEAD):
            g = nch - LOOKAHEAD + k
            buf = rows_v.at[g % NB]
            wait_gather(buf)
            start_store(g, buf)
        for _ in range(2 + LOOKAHEAD):
            wait_store(rows_v.at[0])

    return gather_kernel


def kernel(hour, month, hour_table, month_table, W, b):
    B, L = hour.shape
    n = B * L
    fused, idxn = _build_prep(hour_table, month_table, W, b,
                              hour.astype(jnp.int32), month.astype(jnp.int32))
    idx2d = idxn.reshape(n // CH, CH)
    gather = _make_gather_kernel(n)
    out = gather(fused, idx2d)
    return out.reshape(B, L, EMBED)

# --- scband reference (transcript-rebuilt; emitter-appended) ---
"""Pipeline reference for scband-time-embedding-32573031973648 (READ-ONLY COPY).

The authoritative reference and input builder live on the scoring server;
editing this copy changes nothing except your own understanding.
"""

import jax, jax.numpy as jnp
import numpy as np

EMBED_DIM = 128
HALF = EMBED_DIM // 2
B, L = 4096, 200

def setup_inputs(seed: int = 0) -> dict:
    key = jax.random.key(seed)
    k1, k2, k3, k4, k5, k6 = jax.random.split(key, 6)
    hour = jax.random.randint(k1, (B, L), 0, 24, dtype=jnp.int64 if jax.config.jax_enable_x64 else jnp.int32)
    month = jax.random.randint(k2, (B, L), 0, 12, dtype=jnp.int64 if jax.config.jax_enable_x64 else jnp.int32)
    hour_table = jax.random.normal(k3, (24, HALF), dtype=jnp.float32)
    month_table = jax.random.normal(k4, (12, HALF), dtype=jnp.float32)
    W = jax.random.normal(k5, (EMBED_DIM, EMBED_DIM), dtype=jnp.float32) * (1.0 / jnp.sqrt(EMBED_DIM))
    b = jax.random.normal(k6, (EMBED_DIM,), dtype=jnp.float32) * 0.01
    return {"hour": hour, "month": month, "hour_table": hour_table, "month_table": month_table, "W": W, "b": b}

def reference(hour, month, hour_table, month_table, W, b):
    # Embedding lookups (gather rows)
    hour_emb = jnp.take(hour_table, hour, axis=0)    # [B, L, HALF]
    month_emb = jnp.take(month_table, month, axis=0)  # [B, L, HALF]
    time_emb = jnp.concatenate([hour_emb, month_emb], axis=-1)  # [B, L, EMBED_DIM]
    # torch nn.Linear: y = x @ W.T + b
    return time_emb @ W.T + b

if __name__ == "__main__":
    import jax
    _d = setup_inputs()
    print(jax.jit(kernel)(*tuple(_d.values())))

</pallas_src>

<mosaic_0001>
#map = affine_map<(d0, d1) -> (0, 0)>
module attributes {stable_mosaic.version = 14 : i64} {
  func.func @gather_kernel(%arg0: i32, %arg1: i32, %arg2: memref<288x128xf32, #tpu.memory_space<hbm>>, %arg3: memref<6400x128xi32, #tpu.memory_space<hbm>>, %arg4: memref<819200x128xf32, #tpu.memory_space<hbm>>, %arg5: memref<200x128xi32, #tpu.memory_space<vmem>>, %arg6: memref<6x128x128xf32, #tpu.memory_space<vmem>>, %arg7: memref<288x128xf32, #tpu.memory_space<vmem_shared>>, %arg8: memref<!tpu.dma_semaphore, #tpu.memory_space<semaphore_mem>>, %arg9: memref<!tpu.dma_semaphore, #tpu.memory_space<semaphore_mem>>) attributes {dimension_semantics = [#tpu.dimension_semantics<core_parallel>, #tpu.dimension_semantics<subcore_parallel>], iteration_bounds = array<i64: 2, 16>, scalar_prefetch = 0 : i64, scratch_operands = 5 : i64, tpu.core_type = #tpu.core_type<sc_vector_subcore>, window_params = [{transform_indices = #map}, {transform_indices = #map}, {transform_indices = #map}]} {
    %mul3A = arith.constant 2 : i32
    %mul3A_0 = arith.muli %arg1, %mul3A : i32
    %add3A = arith.addi %mul3A_0, %arg0 : i32
    %mul3A_1 = arith.constant 25600 : i32
    %mul3A_2 = arith.muli %add3A, %mul3A_1 : i32
    %eq3A = arith.constant 0 : i32
    %eq3A_3 = arith.cmpi eq, %arg1, %eq3A : i32
    %convert_element_type3A = arith.extui %eq3A_3 : i1 to i32
    %cond3A = arith.constant 0 : i32
    %cond3A_4 = arith.cmpi ne, %convert_element_type3A, %cond3A : i32
    scf.if %cond3A_4 {
      "tpu.region"() ({
        %run_scoped3A = tpu.sem_alloc : memref<!tpu.dma_semaphore, #tpu.memory_space<semaphore_mem>>
        tpu.enqueue_dma source(%arg2 : memref<288x128xf32, #tpu.memory_space<hbm>>) target(%arg7 : memref<288x128xf32, #tpu.memory_space<vmem_shared>>) target_semaphore(%run_scoped3A : memref<!tpu.dma_semaphore, #tpu.memory_space<semaphore_mem>>)
        tpu.wait_dma2 semaphore(%run_scoped3A : memref<!tpu.dma_semaphore, #tpu.memory_space<semaphore_mem>>) src(%arg2 : memref<288x128xf32, #tpu.memory_space<hbm>>) dst(%arg7 : memref<288x128xf32, #tpu.memory_space<vmem_shared>>)
        tpu.yield
      }) : () -> ()
    } else {
    }
    %mul3A_5 = arith.constant 200 : i32
    %mul3A_6 = arith.muli %add3A, %mul3A_5 : i32
    "tpu.region"() ({
      %run_scoped3A = tpu.sem_alloc : memref<!tpu.dma_semaphore, #tpu.memory_space<semaphore_mem>>
      %dma_start3A_296 = arith.constant 0 : i32
      %dma_start3A_297 = tpu.memref_slice %arg3[%mul3A_6, %dma_start3A_296] : memref<6400x128xi32, #tpu.memory_space<hbm>> -> memref<200x128xi32, #tpu.memory_space<hbm>>
      %dma_start3A_298 = arith.constant 0 : i32
      %dma_start3A_299 = tpu.memref_slice %arg3[%mul3A_6, %dma_start3A_298] : memref<6400x128xi32, #tpu.memory_space<hbm>> -> memref<200x128xi32, #tpu.memory_space<hbm>>
      tpu.enqueue_dma source(%dma_start3A_299 : memref<200x128xi32, #tpu.memory_space<hbm>>) target(%arg5 : memref<200x128xi32, #tpu.memory_space<vmem>>) target_semaphore(%run_scoped3A : memref<!tpu.dma_semaphore, #tpu.memory_space<semaphore_mem>>)
      %dma_wait3A_300 = arith.constant 0 : i32
      %dma_wait3A_301 = tpu.memref_slice %arg3[%mul3A_6, %dma_wait3A_300] : memref<6400x128xi32, #tpu.memory_space<hbm>> -> memref<200x128xi32, #tpu.memory_space<hbm>>
      %dma_wait3A_302 = arith.constant 0 : i32
      %dma_wait3A_303 = tpu.memref_slice %arg3[%mul3A_6, %dma_wait3A_302] : memref<6400x128xi32, #tpu.memory_space<hbm>> -> memref<200x128xi32, #tpu.memory_space<hbm>>
      tpu.wait_dma2 semaphore(%run_scoped3A : memref<!tpu.dma_semaphore, #tpu.memory_space<semaphore_mem>>) src(%dma_wait3A_303 : memref<200x128xi32, #tpu.memory_space<hbm>>) dst(%arg5 : memref<200x128xi32, #tpu.memory_space<vmem>>)
      tpu.yield
    }) : () -> ()
    %barrier3A = arith.constant 0 : index
    tpu.barrier barrier_id(%barrier3A)
    %dma_start3A = arith.constant 0 : i32
    %dma_start3A_7 = arith.constant 0 : i32
    %dma_start3A_8 = arith.constant 0 : i32
    %dma_start3A_9 = arith.constant 0 : i32
    %dma_start3A_10 = tpu.memref_slice %arg6[%dma_start3A_7, %dma_start3A_8, %dma_start3A_9] : memref<6x128x128xf32, #tpu.memory_space<vmem>> -> memref<1x128x128xf32, #tpu.memory_space<vmem>>
    %dma_start3A_11 = tpu.memref_squeeze %dma_start3A_10 : memref<1x128x128xf32, #tpu.memory_space<vmem>> -> memref<128x128xf32, #tpu.memory_space<vmem>>
    %dma_start3A_12 = arith.constant 0 : i32
    %dma_start3A_13 = tpu.memref_slice %arg5[%dma_start3A, %dma_start3A_12] : memref<200x128xi32, #tpu.memory_space<vmem>> -> memref<1x128xi32, #tpu.memory_space<vmem>>
    %dma_start3A_14 = tpu.memref_squeeze %dma_start3A_13 : memref<1x128xi32, #tpu.memory_space<vmem>> -> memref<128xi32, #tpu.memory_space<vmem>>
    %dma_start3A_15 = arith.constant 0 : i32
    %dma_start3A_16 = arith.constant 0 : i32
    %dma_start3A_17 = tpu.memref_slice %arg7[%dma_start3A_15, %dma_start3A_16] : memref<288x128xf32, #tpu.memory_space<vmem_shared>> -> memref<288x128xf32, #tpu.memory_space<vmem_shared>>
    tpu.enqueue_indirect_dma source(%dma_start3A_17 : memref<288x128xf32, #tpu.memory_space<vmem_shared>>) target(%dma_start3A_11 : memref<128x128xf32, #tpu.memory_space<vmem>>) offsets(%dma_start3A_14 : memref<128xi32, #tpu.memory_space<vmem>>) semaphore(%arg8 : memref<!tpu.dma_semaphore, #tpu.memory_space<semaphore_mem>>)
    %dma_start3A_18 = arith.constant 1 : i32
    %dma_start3A_19 = arith.constant 1 : i32
    %dma_start3A_20 = arith.constant 0 : i32
    %dma_start3A_21 = arith.constant 0 : i32
    %dma_start3A_22 = tpu.memref_slice %arg6[%dma_start3A_19, %dma_start3A_20, %dma_start3A_21] : memref<6x128x128xf32, #tpu.memory_space<vmem>> -> memref<1x128x128xf32, #tpu.memory_space<vmem>>
    %dma_start3A_23 = tpu.memref_squeeze %dma_start3A_22 : memref<1x128x128xf32, #tpu.memory_space<vmem>> -> memref<128x128xf32, #tpu.memory_space<vmem>>
    %dma_start3A_24 = arith.constant 0 : i32
    %dma_start3A_25 = tpu.memref_slice %arg5[%dma_start3A_18, %dma_start3A_24] : memref<200x128xi32, #tpu.memory_space<vmem>> -> memref<1x128xi32, #tpu.memory_space<vmem>>
    %dma_start3A_26 = tpu.memref_squeeze %dma_start3A_25 : memref<1x128xi32, #tpu.memory_space<vmem>> -> memref<128xi32, #tpu.memory_space<vmem>>
    %dma_start3A_27 = arith.constant 0 : i32
    %dma_start3A_28 = arith.constant 0 : i32
    %dma_start3A_29 = tpu.memref_slice %arg7[%dma_start3A_27, %dma_start3A_28] : memref<288x128xf32, #tpu.memory_space<vmem_shared>> -> memref<288x128xf32, #tpu.memory_space<vmem_shared>>
    tpu.enqueue_indirect_dma source(%dma_start3A_29 : memref<288x128xf32, #tpu.memory_space<vmem_shared>>) target(%dma_start3A_23 : memref<128x128xf32, #tpu.memory_space<vmem>>) offsets(%dma_start3A_26 : memref<128xi32, #tpu.memory_space<vmem>>) semaphore(%arg8 : memref<!tpu.dma_semaphore, #tpu.memory_space<semaphore_mem>>)
    %dma_start3A_30 = arith.constant 2 : i32
    %dma_start3A_31 = arith.constant 2 : i32
    %dma_start3A_32 = arith.constant 0 : i32
    %dma_start3A_33 = arith.constant 0 : i32
    %dma_start3A_34 = tpu.memref_slice %arg6[%dma_start3A_31, %dma_start3A_32, %dma_start3A_33] : memref<6x128x128xf32, #tpu.memory_space<vmem>> -> memref<1x128x128xf32, #tpu.memory_space<vmem>>
    %dma_start3A_35 = tpu.memref_squeeze %dma_start3A_34 : memref<1x128x128xf32, #tpu.memory_space<vmem>> -> memref<128x128xf32, #tpu.memory_space<vmem>>
    %dma_start3A_36 = arith.constant 0 : i32
    %dma_start3A_37 = tpu.memref_slice %arg5[%dma_start3A_30, %dma_start3A_36] : memref<200x128xi32, #tpu.memory_space<vmem>> -> memref<1x128xi32, #tpu.memory_space<vmem>>
    %dma_start3A_38 = tpu.memref_squeeze %dma_start3A_37 : memref<1x128xi32, #tpu.memory_space<vmem>> -> memref<128xi32, #tpu.memory_space<vmem>>
    %dma_start3A_39 = arith.constant 0 : i32
    %dma_start3A_40 = arith.constant 0 : i32
    %dma_start3A_41 = tpu.memref_slice %arg7[%dma_start3A_39, %dma_start3A_40] : memref<288x128xf32, #tpu.memory_space<vmem_shared>> -> memref<288x128xf32, #tpu.memory_space<vmem_shared>>
    tpu.enqueue_indirect_dma source(%dma_start3A_41 : memref<288x128xf32, #tpu.memory_space<vmem_shared>>) target(%dma_start3A_35 : memref<128x128xf32, #tpu.memory_space<vmem>>) offsets(%dma_start3A_38 : memref<128xi32, #tpu.memory_space<vmem>>) semaphore(%arg8 : memref<!tpu.dma_semaphore, #tpu.memory_space<semaphore_mem>>)
    %dma_wait3A = arith.constant 0 : i32
    %dma_wait3A_42 = arith.constant 0 : i32
    %dma_wait3A_43 = arith.constant 0 : i32
    %dma_wait3A_44 = tpu.memref_slice %arg6[%dma_wait3A, %dma_wait3A_42, %dma_wait3A_43] : memref<6x128x128xf32, #tpu.memory_space<vmem>> -> memref<1x128x128xf32, #tpu.memory_space<vmem>>
    %dma_wait3A_45 = tpu.memref_squeeze %dma_wait3A_44 : memref<1x128x128xf32, #tpu.memory_space<vmem>> -> memref<128x128xf32, #tpu.memory_space<vmem>>
    %dma_wait3A_46 = arith.constant 0 : i32
    %dma_wait3A_47 = arith.constant 0 : i32
    %dma_wait3A_48 = tpu.memref_slice %arg2[%dma_wait3A_46, %dma_wait3A_47] : memref<288x128xf32, #tpu.memory_space<hbm>> -> memref<128x128xf32, #tpu.memory_space<hbm>>
    %dma_wait3A_49 = arith.constant 0 : i32
    %dma_wait3A_50 = arith.constant 0 : i32
    %dma_wait3A_51 = tpu.memref_slice %arg6[%dma_wait3A, %dma_wait3A_49, %dma_wait3A_50] : memref<6x128x128xf32, #tpu.memory_space<vmem>> -> memref<1x128x128xf32, #tpu.memory_space<vmem>>
    %dma_wait3A_52 = tpu.memref_squeeze %dma_wait3A_51 : memref<1x128x128xf32, #tpu.memory_space<vmem>> -> memref<128x128xf32, #tpu.memory_space<vmem>>
    %dma_wait3A_53 = arith.constant 0 : i32
    %dma_wait3A_54 = arith.constant 0 : i32
    %dma_wait3A_55 = tpu.memref_slice %arg2[%dma_wait3A_53, %dma_wait3A_54] : memref<288x128xf32, #tpu.memory_space<hbm>> -> memref<128x128xf32, #tpu.memory_space<hbm>>
    tpu.wait_dma2 semaphore(%arg8 : memref<!tpu.dma_semaphore, #tpu.memory_space<semaphore_mem>>) src(%dma_wait3A_55 : memref<128x128xf32, #tpu.memory_space<hbm>>) dst(%dma_wait3A_52 : memref<128x128xf32, #tpu.memory_space<vmem>>)
    %add3A_56 = arith.constant 0 : i32
    %add3A_57 = arith.addi %mul3A_2, %add3A_56 : i32
    %dma_start3A_58 = arith.constant 0 : i32
    %dma_start3A_59 = arith.constant 0 : i32
    %dma_start3A_60 = arith.constant 0 : i32
    %dma_start3A_61 = tpu.memref_slice %arg6[%dma_start3A_58, %dma_start3A_59, %dma_start3A_60] : memref<6x128x128xf32, #tpu.memory_space<vmem>> -> memref<1x128x128xf32, #tpu.memory_space<vmem>>
    %dma_start3A_62 = tpu.memref_squeeze %dma_start3A_61 : memref<1x128x128xf32, #tpu.memory_space<vmem>> -> memref<128x128xf32, #tpu.memory_space<vmem>>
    %dma_start3A_63 = arith.constant 0 : i32
    %dma_start3A_64 = tpu.memref_slice %arg4[%add3A_57, %dma_start3A_63] : memref<819200x128xf32, #tpu.memory_space<hbm>> -> memref<128x128xf32, #tpu.memory_space<hbm>>
    %dma_start3A_65 = arith.constant 0 : i32
    %dma_start3A_66 = tpu.memref_slice %arg4[%add3A_57, %dma_start3A_65] : memref<819200x128xf32, #tpu.memory_space<hbm>> -> memref<128x128xf32, #tpu.memory_space<hbm>>
    %dma_start3A_67 = arith.constant 0 : i32
    %dma_start3A_68 = arith.constant 0 : i32
    %dma_start3A_69 = tpu.memref_slice %arg6[%dma_start3A_58, %dma_start3A_67, %dma_start3A_68] : memref<6x128x128xf32, #tpu.memory_space<vmem>> -> memref<1x128x128xf32, #tpu.memory_space<vmem>>
    %dma_start3A_70 = tpu.memref_squeeze %dma_start3A_69 : memref<1x128x128xf32, #tpu.memory_space<vmem>> -> memref<128x128xf32, #tpu.memory_space<vmem>>
    tpu.enqueue_dma source(%dma_start3A_70 : memref<128x128xf32, #tpu.memory_space<vmem>>) target(%dma_start3A_66 : memref<128x128xf32, #tpu.memory_space<hbm>>) target_semaphore(%arg9 : memref<!tpu.dma_semaphore, #tpu.memory_space<semaphore_mem>>)
    %dma_start3A_71 = arith.constant 3 : i32
    %dma_start3A_72 = arith.constant 3 : i32
    %dma_start3A_73 = arith.constant 0 : i32
    %dma_start3A_74 = arith.constant 0 : i32
    %dma_start3A_75 = tpu.memref_slice %arg6[%dma_start3A_72, %dma_start3A_73, %dma_start3A_74] : memref<6x128x128xf32, #tpu.memory_space<vmem>> -> memref<1x128x128xf32, #tpu.memory_space<vmem>>
    %dma_start3A_76 = tpu.memref_squeeze %dma_start3A_75 : memref<1x128x128xf32, #tpu.memory_space<vmem>> -> memref<128x128xf32, #tpu.memory_space<vmem>>
    %dma_start3A_77 = arith.constant 0 : i32
    %dma_start3A_78 = tpu.memref_slice %arg5[%dma_start3A_71, %dma_start3A_77] : memref<200x128xi32, #tpu.memory_space<vmem>> -> memref<1x128xi32, #tpu.memory_space<vmem>>
    %dma_start3A_79 = tpu.memref_squeeze %dma_start3A_78 : memref<1x128xi32, #tpu.memory_space<vmem>> -> memref<128xi32, #tpu.memory_space<vmem>>
    %dma_start3A_80 = arith.constant 0 : i32
    %dma_start3A_81 = arith.constant 0 : i32
    %dma_start3A_82 = tpu.memref_slice %arg7[%dma_start3A_80, %dma_start3A_81] : memref<288x128xf32, #tpu.memory_space<vmem_shared>> -> memref<288x128xf32, #tpu.memory_space<vmem_shared>>
    tpu.enqueue_indirect_dma source(%dma_start3A_82 : memref<288x128xf32, #tpu.memory_space<vmem_shared>>) target(%dma_start3A_76 : memref<128x128xf32, #tpu.memory_space<vmem>>) offsets(%dma_start3A_79 : memref<128xi32, #tpu.memory_space<vmem>>) semaphore(%arg8 : memref<!tpu.dma_semaphore, #tpu.memory_space<semaphore_mem>>)
    %dma_wait3A_83 = arith.constant 1 : i32
    %dma_wait3A_84 = arith.constant 0 : i32
    %dma_wait3A_85 = arith.constant 0 : i32
    %dma_wait3A_86 = tpu.memref_slice %arg6[%dma_wait3A_83, %dma_wait3A_84, %dma_wait3A_85] : memref<6x128x128xf32, #tpu.memory_space<vmem>> -> memref<1x128x128xf32, #tpu.memory_space<vmem>>
    %dma_wait3A_87 = tpu.memref_squeeze %dma_wait3A_86 : memref<1x128x128xf32, #tpu.memory_space<vmem>> -> memref<128x128xf32, #tpu.memory_space<vmem>>
    %dma_wait3A_88 = arith.constant 0 : i32
    %dma_wait3A_89 = arith.constant 0 : i32
    %dma_wait3A_90 = tpu.memref_slice %arg2[%dma_wait3A_88, %dma_wait3A_89] : memref<288x128xf32, #tpu.memory_space<hbm>> -> memref<128x128xf32, #tpu.memory_space<hbm>>
    %dma_wait3A_91 = arith.constant 0 : i32
    %dma_wait3A_92 = arith.constant 0 : i32
    %dma_wait3A_93 = tpu.memref_slice %arg6[%dma_wait3A_83, %dma_wait3A_91, %dma_wait3A_92] : memref<6x128x128xf32, #tpu.memory_space<vmem>> -> memref<1x128x128xf32, #tpu.memory_space<vmem>>
    %dma_wait3A_94 = tpu.memref_squeeze %dma_wait3A_93 : memref<1x128x128xf32, #tpu.memory_space<vmem>> -> memref<128x128xf32, #tpu.memory_space<vmem>>
    %dma_wait3A_95 = arith.constant 0 : i32
    %dma_wait3A_96 = arith.constant 0 : i32
    %dma_wait3A_97 = tpu.memref_slice %arg2[%dma_wait3A_95, %dma_wait3A_96] : memref<288x128xf32, #tpu.memory_space<hbm>> -> memref<128x128xf32, #tpu.memory_space<hbm>>
    tpu.wait_dma2 semaphore(%arg8 : memref<!tpu.dma_semaphore, #tpu.memory_space<semaphore_mem>>) src(%dma_wait3A_97 : memref<128x128xf32, #tpu.memory_space<hbm>>) dst(%dma_wait3A_94 : memref<128x128xf32, #tpu.memory_space<vmem>>)
    %add3A_98 = arith.constant 128 : i32
    %add3A_99 = arith.addi %mul3A_2, %add3A_98 : i32
    %dma_start3A_100 = arith.constant 1 : i32
    %dma_start3A_101 = arith.constant 0 : i32
    %dma_start3A_102 = arith.constant 0 : i32
    %dma_start3A_103 = tpu.memref_slice %arg6[%dma_start3A_100, %dma_start3A_101, %dma_start3A_102] : memref<6x128x128xf32, #tpu.memory_space<vmem>> -> memref<1x128x128xf32, #tpu.memory_space<vmem>>
    %dma_start3A_104 = tpu.memref_squeeze %dma_start3A_103 : memref<1x128x128xf32, #tpu.memory_space<vmem>> -> memref<128x128xf32, #tpu.memory_space<vmem>>
    %dma_start3A_105 = arith.constant 0 : i32
    %dma_start3A_106 = tpu.memref_slice %arg4[%add3A_99, %dma_start3A_105] : memref<819200x128xf32, #tpu.memory_space<hbm>> -> memref<128x128xf32, #tpu.memory_space<hbm>>
    %dma_start3A_107 = arith.constant 0 : i32
    %dma_start3A_108 = tpu.memref_slice %arg4[%add3A_99, %dma_start3A_107] : memref<819200x128xf32, #tpu.memory_space<hbm>> -> memref<128x128xf32, #tpu.memory_space<hbm>>
    %dma_start3A_109 = arith.constant 0 : i32
    %dma_start3A_110 = arith.constant 0 : i32
    %dma_start3A_111 = tpu.memref_slice %arg6[%dma_start3A_100, %dma_start3A_109, %dma_start3A_110] : memref<6x128x128xf32, #tpu.memory_space<vmem>> -> memref<1x128x128xf32, #tpu.memory_space<vmem>>
    %dma_start3A_112 = tpu.memref_squeeze %dma_start3A_111 : memref<1x128x128xf32, #tpu.memory_space<vmem>> -> memref<128x128xf32, #tpu.memory_space<vmem>>
    tpu.enqueue_dma source(%dma_start3A_112 : memref<128x128xf32, #tpu.memory_space<vmem>>) target(%dma_start3A_108 : memref<128x128xf32, #tpu.memory_space<hbm>>) target_semaphore(%arg9 : memref<!tpu.dma_semaphore, #tpu.memory_space<semaphore_mem>>)
    %dma_start3A_113 = arith.constant 4 : i32
    %dma_start3A_114 = arith.constant 4 : i32
    %dma_start3A_115 = arith.constant 0 : i32
    %dma_start3A_116 = arith.constant 0 : i32
    %dma_start3A_117 = tpu.memref_slice %arg6[%dma_start3A_114, %dma_start3A_115, %dma_start3A_116] : memref<6x128x128xf32, #tpu.memory_space<vmem>> -> memref<1x128x128xf32, #tpu.memory_space<vmem>>
    %dma_start3A_118 = tpu.memref_squeeze %dma_start3A_117 : memref<1x128x128xf32, #tpu.memory_space<vmem>> -> memref<128x128xf32, #tpu.memory_space<vmem>>
    %dma_start3A_119 = arith.constant 0 : i32
    %dma_start3A_120 = tpu.memref_slice %arg5[%dma_start3A_113, %dma_start3A_119] : memref<200x128xi32, #tpu.memory_space<vmem>> -> memref<1x128xi32, #tpu.memory_space<vmem>>
    %dma_start3A_121 = tpu.memref_squeeze %dma_start3A_120 : memref<1x128xi32, #tpu.memory_space<vmem>> -> memref<128xi32, #tpu.memory_space<vmem>>
    %dma_start3A_122 = arith.constant 0 : i32
    %dma_start3A_123 = arith.constant 0 : i32
    %dma_start3A_124 = tpu.memref_slice %arg7[%dma_start3A_122, %dma_start3A_123] : memref<288x128xf32, #tpu.memory_space<vmem_shared>> -> memref<288x128xf32, #tpu.memory_space<vmem_shared>>
    tpu.enqueue_indirect_dma source(%dma_start3A_124 : memref<288x128xf32, #tpu.memory_space<vmem_shared>>) target(%dma_start3A_118 : memref<128x128xf32, #tpu.memory_space<vmem>>) offsets(%dma_start3A_121 : memref<128xi32, #tpu.memory_space<vmem>>) semaphore(%arg8 : memref<!tpu.dma_semaphore, #tpu.memory_space<semaphore_mem>>)
    %scan3A = arith.constant 0 : i32
    %scan3A_125 = arith.constant 2 : i32
    %scan3A_126 = arith.constant 195 : i32
    %scan3A_127 = arith.addi %scan3A_125, %scan3A_126 : i32
    %scan3A_128 = arith.constant 1 : i32
    %scan3A_129 = scf.for %scan3A_296 = %scan3A_125 to %scan3A_127 step %scan3A_128 iter_args(%scan3A_297 = %scan3A) -> (i32)  : i32 {
      %rem3A = arith.constant 6 : i32
      %rem3A_298 = arith.remsi %scan3A_296, %rem3A : i32
      %add3A_299 = arith.constant 3 : i32
      %add3A_300 = arith.addi %scan3A_296, %add3A_299 : i32
      %rem3A_301 = arith.constant 6 : i32
      %rem3A_302 = arith.remsi %add3A_300, %rem3A_301 : i32
      %dma_wait3A_303 = arith.constant 0 : i32
      %dma_wait3A_304 = arith.constant 0 : i32
      %dma_wait3A_305 = tpu.memref_slice %arg6[%rem3A_298, %dma_wait3A_303, %dma_wait3A_304] : memref<6x128x128xf32, #tpu.memory_space<vmem>> -> memref<1x128x128xf32, #tpu.memory_space<vmem>>
      %dma_wait3A_306 = tpu.memref_squeeze %dma_wait3A_305 : memref<1x128x128xf32, #tpu.memory_space<vmem>> -> memref<128x128xf32, #tpu.memory_space<vmem>>
      %dma_wait3A_307 = arith.constant 0 : i32
      %dma_wait3A_308 = arith.constant 0 : i32
      %dma_wait3A_309 = tpu.memref_slice %arg2[%dma_wait3A_307, %dma_wait3A_308] : memref<288x128xf32, #tpu.memory_space<hbm>> -> memref<128x128xf32, #tpu.memory_space<hbm>>
      %dma_wait3A_310 = arith.constant 0 : i32
      %dma_wait3A_311 = arith.constant 0 : i32
      %dma_wait3A_312 = tpu.memref_slice %arg6[%rem3A_298, %dma_wait3A_310, %dma_wait3A_311] : memref<6x128x128xf32, #tpu.memory_space<vmem>> -> memref<1x128x128xf32, #tpu.memory_space<vmem>>
      %dma_wait3A_313 = tpu.memref_squeeze %dma_wait3A_312 : memref<1x128x128xf32, #tpu.memory_space<vmem>> -> memref<128x128xf32, #tpu.memory_space<vmem>>
      %dma_wait3A_314 = arith.constant 0 : i32
      %dma_wait3A_315 = arith.constant 0 : i32
      %dma_wait3A_316 = tpu.memref_slice %arg2[%dma_wait3A_314, %dma_wait3A_315] : memref<288x128xf32, #tpu.memory_space<hbm>> -> memref<128x128xf32, #tpu.memory_space<hbm>>
      tpu.wait_dma2 semaphore(%arg8 : memref<!tpu.dma_semaphore, #tpu.memory_space<semaphore_mem>>) src(%dma_wait3A_316 : memref<128x128xf32, #tpu.memory_space<hbm>>) dst(%dma_wait3A_313 : memref<128x128xf32, #tpu.memory_space<vmem>>)
      %mul3A_317 = arith.constant 128 : i32
      %mul3A_318 = arith.muli %scan3A_296, %mul3A_317 : i32
      %add3A_319 = arith.addi %mul3A_2, %mul3A_318 : i32
      %dma_start3A_320 = arith.constant 0 : i32
      %dma_start3A_321 = arith.constant 0 : i32
      %dma_start3A_322 = tpu.memref_slice %arg6[%rem3A_298, %dma_start3A_320, %dma_start3A_321] : memref<6x128x128xf32, #tpu.memory_space<vmem>> -> memref<1x128x128xf32, #tpu.memory_space<vmem>>
      %dma_start3A_323 = tpu.memref_squeeze %dma_start3A_322 : memref<1x128x128xf32, #tpu.memory_space<vmem>> -> memref<128x128xf32, #tpu.memory_space<vmem>>
      %dma_start3A_324 = arith.constant 0 : i32
      %dma_start3A_325 = tpu.memref_slice %arg4[%add3A_319, %dma_start3A_324] : memref<819200x128xf32, #tpu.memory_space<hbm>> -> memref<128x128xf32, #tpu.memory_space<hbm>>
      %dma_start3A_326 = arith.constant 0 : i32
      %dma_start3A_327 = tpu.memref_slice %arg4[%add3A_319, %dma_start3A_326] : memref<819200x128xf32, #tpu.memory_space<hbm>> -> memref<128x128xf32, #tpu.memory_space<hbm>>
      %dma_start3A_328 = arith.constant 0 : i32
      %dma_start3A_329 = arith.constant 0 : i32
      %dma_start3A_330 = tpu.memref_slice %arg6[%rem3A_298, %dma_start3A_328, %dma_start3A_329] : memref<6x128x128xf32, #tpu.memory_space<vmem>> -> memref<1x128x128xf32, #tpu.memory_space<vmem>>
      %dma_start3A_331 = tpu.memref_squeeze %dma_start3A_330 : memref<1x128x128xf32, #tpu.memory_space<vmem>> -> memref<128x128xf32, #tpu.memory_space<vmem>>
      tpu.enqueue_dma source(%dma_start3A_331 : memref<128x128xf32, #tpu.memory_space<vmem>>) target(%dma_start3A_327 : memref<128x128xf32, #tpu.memory_space<hbm>>) target_semaphore(%arg9 : memref<!tpu.dma_semaphore, #tpu.memory_space<semaphore_mem>>)
      %dma_wait3A_332 = arith.constant 0 : i32
      %dma_wait3A_333 = arith.constant 0 : i32
      %dma_wait3A_334 = tpu.memref_slice %arg6[%rem3A_298, %dma_wait3A_332, %dma_wait3A_333] : memref<6x128x128xf32, #tpu.memory_space<vmem>> -> memref<1x128x128xf32, #tpu.memory_space<vmem>>
      %dma_wait3A_335 = tpu.memref_squeeze %dma_wait3A_334 : memref<1x128x128xf32, #tpu.memory_space<vmem>> -> memref<128x128xf32, #tpu.memory_space<vmem>>
      %dma_wait3A_336 = arith.constant 0 : i32
      %dma_wait3A_337 = arith.constant 0 : i32
      %dma_wait3A_338 = tpu.memref_slice %arg4[%dma_wait3A_336, %dma_wait3A_337] : memref<819200x128xf32, #tpu.memory_space<hbm>> -> memref<128x128xf32, #tpu.memory_space<hbm>>
      %dma_wait3A_339 = arith.constant 0 : i32
      %dma_wait3A_340 = arith.constant 0 : i32
      %dma_wait3A_341 = tpu.memref_slice %arg4[%dma_wait3A_339, %dma_wait3A_340] : memref<819200x128xf32, #tpu.memory_space<hbm>> -> memref<128x128xf32, #tpu.memory_space<hbm>>
      %dma_wait3A_342 = arith.constant 0 : i32
      %dma_wait3A_343 = arith.constant 0 : i32
      %dma_wait3A_344 = tpu.memref_slice %arg6[%rem3A_298, %dma_wait3A_342, %dma_wait3A_343] : memref<6x128x128xf32, #tpu.memory_space<vmem>> -> memref<1x128x128xf32, #tpu.memory_space<vmem>>
      %dma_wait3A_345 = tpu.memref_squeeze %dma_wait3A_344 : memref<1x128x128xf32, #tpu.memory_space<vmem>> -> memref<128x128xf32, #tpu.memory_space<vmem>>
      tpu.wait_dma2 semaphore(%arg9 : memref<!tpu.dma_semaphore, #tpu.memory_space<semaphore_mem>>) src(%dma_wait3A_345 : memref<128x128xf32, #tpu.memory_space<vmem>>) dst(%dma_wait3A_341 : memref<128x128xf32, #tpu.memory_space<hbm>>)
      %add3A_346 = arith.constant 3 : i32
      %add3A_347 = arith.addi %scan3A_296, %add3A_346 : i32
      %dma_start3A_348 = arith.constant 0 : i32
      %dma_start3A_349 = arith.constant 0 : i32
      %dma_start3A_350 = tpu.memref_slice %arg6[%rem3A_302, %dma_start3A_348, %dma_start3A_349] : memref<6x128x128xf32, #tpu.memory_space<vmem>> -> memref<1x128x128xf32, #tpu.memory_space<vmem>>
      %dma_start3A_351 = tpu.memref_squeeze %dma_start3A_350 : memref<1x128x128xf32, #tpu.memory_space<vmem>> -> memref<128x128xf32, #tpu.memory_space<vmem>>
      %dma_start3A_352 = arith.constant 0 : i32
      %dma_start3A_353 = tpu.memref_slice %arg5[%add3A_347, %dma_start3A_352] : memref<200x128xi32, #tpu.memory_space<vmem>> -> memref<1x128xi32, #tpu.memory_space<vmem>>
      %dma_start3A_354 = tpu.memref_squeeze %dma_start3A_353 : memref<1x128xi32, #tpu.memory_space<vmem>> -> memref<128xi32, #tpu.memory_space<vmem>>
      %dma_start3A_355 = arith.constant 0 : i32
      %dma_start3A_356 = arith.constant 0 : i32
      %dma_start3A_357 = tpu.memref_slice %arg7[%dma_start3A_355, %dma_start3A_356] : memref<288x128xf32, #tpu.memory_space<vmem_shared>> -> memref<288x128xf32, #tpu.memory_space<vmem_shared>>
      tpu.enqueue_indirect_dma source(%dma_start3A_357 : memref<288x128xf32, #tpu.memory_space<vmem_shared>>) target(%dma_start3A_351 : memref<128x128xf32, #tpu.memory_space<vmem>>) offsets(%dma_start3A_354 : memref<128xi32, #tpu.memory_space<vmem>>) semaphore(%arg8 : memref<!tpu.dma_semaphore, #tpu.memory_space<semaphore_mem>>)
      %scan3A_358 = arith.constant 0 : i32
      scf.yield %scan3A_358 : i32
    }
    %scan3A_130 = arith.constant 195 : i32
    %dma_wait3A_131 = arith.constant 5 : i32
    %dma_wait3A_132 = arith.constant 0 : i32
    %dma_wait3A_133 = arith.constant 0 : i32
    %dma_wait3A_134 = tpu.memref_slice %arg6[%dma_wait3A_131, %dma_wait3A_132, %dma_wait3A_133] : memref<6x128x128xf32, #tpu.memory_space<vmem>> -> memref<1x128x128xf32, #tpu.memory_space<vmem>>
    %dma_wait3A_135 = tpu.memref_squeeze %dma_wait3A_134 : memref<1x128x128xf32, #tpu.memory_space<vmem>> -> memref<128x128xf32, #tpu.memory_space<vmem>>
    %dma_wait3A_136 = arith.constant 0 : i32
    %dma_wait3A_137 = arith.constant 0 : i32
    %dma_wait3A_138 = tpu.memref_slice %arg2[%dma_wait3A_136, %dma_wait3A_137] : memref<288x128xf32, #tpu.memory_space<hbm>> -> memref<128x128xf32, #tpu.memory_space<hbm>>
    %dma_wait3A_139 = arith.constant 0 : i32
    %dma_wait3A_140 = arith.constant 0 : i32
    %dma_wait3A_141 = tpu.memref_slice %arg6[%dma_wait3A_131, %dma_wait3A_139, %dma_wait3A_140] : memref<6x128x128xf32, #tpu.memory_space<vmem>> -> memref<1x128x128xf32, #tpu.memory_space<vmem>>
    %dma_wait3A_142 = tpu.memref_squeeze %dma_wait3A_141 : memref<1x128x128xf32, #tpu.memory_space<vmem>> -> memref<128x128xf32, #tpu.memory_space<vmem>>
    %dma_wait3A_143 = arith.constant 0 : i32
    %dma_wait3A_144 = arith.constant 0 : i32
    %dma_wait3A_145 = tpu.memref_slice %arg2[%dma_wait3A_143, %dma_wait3A_144] : memref<288x128xf32, #tpu.memory_space<hbm>> -> memref<128x128xf32, #tpu.memory_space<hbm>>
    tpu.wait_dma2 semaphore(%arg8 : memref<!tpu.dma_semaphore, #tpu.memory_space<semaphore_mem>>) src(%dma_wait3A_145 : memref<128x128xf32, #tpu.memory_space<hbm>>) dst(%dma_wait3A_142 : memref<128x128xf32, #tpu.memory_space<vmem>>)
    %add3A_146 = arith.constant 25216 : i32
    %add3A_147 = arith.addi %mul3A_2, %add3A_146 : i32
    %dma_start3A_148 = arith.constant 5 : i32
    %dma_start3A_149 = arith.constant 0 : i32
    %dma_start3A_150 = arith.constant 0 : i32
    %dma_start3A_151 = tpu.memref_slice %arg6[%dma_start3A_148, %dma_start3A_149, %dma_start3A_150] : memref<6x128x128xf32, #tpu.memory_space<vmem>> -> memref<1x128x128xf32, #tpu.memory_space<vmem>>
    %dma_start3A_152 = tpu.memref_squeeze %dma_start3A_151 : memref<1x128x128xf32, #tpu.memory_space<vmem>> -> memref<128x128xf32, #tpu.memory_space<vmem>>
    %dma_start3A_153 = arith.constant 0 : i32
    %dma_start3A_154 = tpu.memref_slice %arg4[%add3A_147, %dma_start3A_153] : memref<819200x128xf32, #tpu.memory_space<hbm>> -> memref<128x128xf32, #tpu.memory_space<hbm>>
    %dma_start3A_155 = arith.constant 0 : i32
    %dma_start3A_156 = tpu.memref_slice %arg4[%add3A_147, %dma_start3A_155] : memref<819200x128xf32, #tpu.memory_space<hbm>> -> memref<128x128xf32, #tpu.memory_space<hbm>>
    %dma_start3A_157 = arith.constant 0 : i32
    %dma_start3A_158 = arith.constant 0 : i32
    %dma_start3A_159 = tpu.memref_slice %arg6[%dma_start3A_148, %dma_start3A_157, %dma_start3A_158] : memref<6x128x128xf32, #tpu.memory_space<vmem>> -> memref<1x128x128xf32, #tpu.memory_space<vmem>>
    %dma_start3A_160 = tpu.memref_squeeze %dma_start3A_159 : memref<1x128x128xf32, #tpu.memory_space<vmem>> -> memref<128x128xf32, #tpu.memory_space<vmem>>
    tpu.enqueue_dma source(%dma_start3A_160 : memref<128x128xf32, #tpu.memory_space<vmem>>) target(%dma_start3A_156 : memref<128x128xf32, #tpu.memory_space<hbm>>) target_semaphore(%arg9 : memref<!tpu.dma_semaphore, #tpu.memory_space<semaphore_mem>>)
    %dma_wait3A_161 = arith.constant 0 : i32
    %dma_wait3A_162 = arith.constant 0 : i32
    %dma_wait3A_163 = arith.constant 0 : i32
    %dma_wait3A_164 = tpu.memref_slice %arg6[%dma_wait3A_161, %dma_wait3A_162, %dma_wait3A_163] : memref<6x128x128xf32, #tpu.memory_space<vmem>> -> memref<1x128x128xf32, #tpu.memory_space<vmem>>
    %dma_wait3A_165 = tpu.memref_squeeze %dma_wait3A_164 : memref<1x128x128xf32, #tpu.memory_space<vmem>> -> memref<128x128xf32, #tpu.memory_space<vmem>>
    %dma_wait3A_166 = arith.constant 0 : i32
    %dma_wait3A_167 = arith.constant 0 : i32
    %dma_wait3A_168 = tpu.memref_slice %arg2[%dma_wait3A_166, %dma_wait3A_167] : memref<288x128xf32, #tpu.memory_space<hbm>> -> memref<128x128xf32, #tpu.memory_space<hbm>>
    %dma_wait3A_169 = arith.constant 0 : i32
    %dma_wait3A_170 = arith.constant 0 : i32
    %dma_wait3A_171 = tpu.memref_slice %arg6[%dma_wait3A_161, %dma_wait3A_169, %dma_wait3A_170] : memref<6x128x128xf32, #tpu.memory_space<vmem>> -> memref<1x128x128xf32, #tpu.memory_space<vmem>>
    %dma_wait3A_172 = tpu.memref_squeeze %dma_wait3A_171 : memref<1x128x128xf32, #tpu.memory_space<vmem>> -> memref<128x128xf32, #tpu.memory_space<vmem>>
    %dma_wait3A_173 = arith.constant 0 : i32
    %dma_wait3A_174 = arith.constant 0 : i32
    %dma_wait3A_175 = tpu.memref_slice %arg2[%dma_wait3A_173, %dma_wait3A_174] : memref<288x128xf32, #tpu.memory_space<hbm>> -> memref<128x128xf32, #tpu.memory_space<hbm>>
    tpu.wait_dma2 semaphore(%arg8 : memref<!tpu.dma_semaphore, #tpu.memory_space<semaphore_mem>>) src(%dma_wait3A_175 : memref<128x128xf32, #tpu.memory_space<hbm>>) dst(%dma_wait3A_172 : memref<128x128xf32, #tpu.memory_space<vmem>>)
    %add3A_176 = arith.constant 25344 : i32
    %add3A_177 = arith.addi %mul3A_2, %add3A_176 : i32
    %dma_start3A_178 = arith.constant 0 : i32
    %dma_start3A_179 = arith.constant 0 : i32
    %dma_start3A_180 = arith.constant 0 : i32
    %dma_start3A_181 = tpu.memref_slice %arg6[%dma_start3A_178, %dma_start3A_179, %dma_start3A_180] : memref<6x128x128xf32, #tpu.memory_space<vmem>> -> memref<1x128x128xf32, #tpu.memory_space<vmem>>
    %dma_start3A_182 = tpu.memref_squeeze %dma_start3A_181 : memref<1x128x128xf32, #tpu.memory_space<vmem>> -> memref<128x128xf32, #tpu.memory_space<vmem>>
    %dma_start3A_183 = arith.constant 0 : i32
    %dma_start3A_184 = tpu.memref_slice %arg4[%add3A_177, %dma_start3A_183] : memref<819200x128xf32, #tpu.memory_space<hbm>> -> memref<128x128xf32, #tpu.memory_space<hbm>>
    %dma_start3A_185 = arith.constant 0 : i32
    %dma_start3A_186 = tpu.memref_slice %arg4[%add3A_177, %dma_start3A_185] : memref<819200x128xf32, #tpu.memory_space<hbm>> -> memref<128x128xf32, #tpu.memory_space<hbm>>
    %dma_start3A_187 = arith.constant 0 : i32
    %dma_start3A_188 = arith.constant 0 : i32
    %dma_start3A_189 = tpu.memref_slice %arg6[%dma_start3A_178, %dma_start3A_187, %dma_start3A_188] : memref<6x128x128xf32, #tpu.memory_space<vmem>> -> memref<1x128x128xf32, #tpu.memory_space<vmem>>
    %dma_start3A_190 = tpu.memref_squeeze %dma_start3A_189 : memref<1x128x128xf32, #tpu.memory_space<vmem>> -> memref<128x128xf32, #tpu.memory_space<vmem>>
    tpu.enqueue_dma source(%dma_start3A_190 : memref<128x128xf32, #tpu.memory_space<vmem>>) target(%dma_start3A_186 : memref<128x128xf32, #tpu.memory_space<hbm>>) target_semaphore(%arg9 : memref<!tpu.dma_semaphore, #tpu.memory_space<semaphore_mem>>)
    %dma_wait3A_191 = arith.constant 1 : i32
    %dma_wait3A_192 = arith.constant 0 : i32
    %dma_wait3A_193 = arith.constant 0 : i32
    %dma_wait3A_194 = tpu.memref_slice %arg6[%dma_wait3A_191, %dma_wait3A_192, %dma_wait3A_193] : memref<6x128x128xf32, #tpu.memory_space<vmem>> -> memref<1x128x128xf32, #tpu.memory_space<vmem>>
    %dma_wait3A_195 = tpu.memref_squeeze %dma_wait3A_194 : memref<1x128x128xf32, #tpu.memory_space<vmem>> -> memref<128x128xf32, #tpu.memory_space<vmem>>
    %dma_wait3A_196 = arith.constant 0 : i32
    %dma_wait3A_197 = arith.constant 0 : i32
    %dma_wait3A_198 = tpu.memref_slice %arg2[%dma_wait3A_196, %dma_wait3A_197] : memref<288x128xf32, #tpu.memory_space<hbm>> -> memref<128x128xf32, #tpu.memory_space<hbm>>
    %dma_wait3A_199 = arith.constant 0 : i32
    %dma_wait3A_200 = arith.constant 0 : i32
    %dma_wait3A_201 = tpu.memref_slice %arg6[%dma_wait3A_191, %dma_wait3A_199, %dma_wait3A_200] : memref<6x128x128xf32, #tpu.memory_space<vmem>> -> memref<1x128x128xf32, #tpu.memory_space<vmem>>
    %dma_wait3A_202 = tpu.memref_squeeze %dma_wait3A_201 : memref<1x128x128xf32, #tpu.memory_space<vmem>> -> memref<128x128xf32, #tpu.memory_space<vmem>>
    %dma_wait3A_203 = arith.constant 0 : i32
    %dma_wait3A_204 = arith.constant 0 : i32
    %dma_wait3A_205 = tpu.memref_slice %arg2[%dma_wait3A_203, %dma_wait3A_204] : memref<288x128xf32, #tpu.memory_space<hbm>> -> memref<128x128xf32, #tpu.memory_space<hbm>>
    tpu.wait_dma2 semaphore(%arg8 : memref<!tpu.dma_semaphore, #tpu.memory_space<semaphore_mem>>) src(%dma_wait3A_205 : memref<128x128xf32, #tpu.memory_space<hbm>>) dst(%dma_wait3A_202 : memref<128x128xf32, #tpu.memory_space<vmem>>)
    %add3A_206 = arith.constant 25472 : i32
    %add3A_207 = arith.addi %mul3A_2, %add3A_206 : i32
    %dma_start3A_208 = arith.constant 1 : i32
    %dma_start3A_209 = arith.constant 0 : i32
    %dma_start3A_210 = arith.constant 0 : i32
    %dma_start3A_211 = tpu.memref_slice %arg6[%dma_start3A_208, %dma_start3A_209, %dma_start3A_210] : memref<6x128x128xf32, #tpu.memory_space<vmem>> -> memref<1x128x128xf32, #tpu.memory_space<vmem>>
    %dma_start3A_212 = tpu.memref_squeeze %dma_start3A_211 : memref<1x128x128xf32, #tpu.memory_space<vmem>> -> memref<128x128xf32, #tpu.memory_space<vmem>>
    %dma_start3A_213 = arith.constant 0 : i32
    %dma_start3A_214 = tpu.memref_slice %arg4[%add3A_207, %dma_start3A_213] : memref<819200x128xf32, #tpu.memory_space<hbm>> -> memref<128x128xf32, #tpu.memory_space<hbm>>
    %dma_start3A_215 = arith.constant 0 : i32
    %dma_start3A_216 = tpu.memref_slice %arg4[%add3A_207, %dma_start3A_215] : memref<819200x128xf32, #tpu.memory_space<hbm>> -> memref<128x128xf32, #tpu.memory_space<hbm>>
    %dma_start3A_217 = arith.constant 0 : i32
    %dma_start3A_218 = arith.constant 0 : i32
    %dma_start3A_219 = tpu.memref_slice %arg6[%dma_start3A_208, %dma_start3A_217, %dma_start3A_218] : memref<6x128x128xf32, #tpu.memory_space<vmem>> -> memref<1x128x128xf32, #tpu.memory_space<vmem>>
    %dma_start3A_220 = tpu.memref_squeeze %dma_start3A_219 : memref<1x128x128xf32, #tpu.memory_space<vmem>> -> memref<128x128xf32, #tpu.memory_space<vmem>>
    tpu.enqueue_dma source(%dma_start3A_220 : memref<128x128xf32, #tpu.memory_space<vmem>>) target(%dma_start3A_216 : memref<128x128xf32, #tpu.memory_space<hbm>>) target_semaphore(%arg9 : memref<!tpu.dma_semaphore, #tpu.memory_space<semaphore_mem>>)
    %dma_wait3A_221 = arith.constant 0 : i32
    %dma_wait3A_222 = arith.constant 0 : i32
    %dma_wait3A_223 = arith.constant 0 : i32
    %dma_wait3A_224 = tpu.memref_slice %arg6[%dma_wait3A_221, %dma_wait3A_222, %dma_wait3A_223] : memref<6x128x128xf32, #tpu.memory_space<vmem>> -> memref<1x128x128xf32, #tpu.memory_space<vmem>>
    %dma_wait3A_225 = tpu.memref_squeeze %dma_wait3A_224 : memref<1x128x128xf32, #tpu.memory_space<vmem>> -> memref<128x128xf32, #tpu.memory_space<vmem>>
    %dma_wait3A_226 = arith.constant 0 : i32
    %dma_wait3A_227 = arith.constant 0 : i32
    %dma_wait3A_228 = tpu.memref_slice %arg4[%dma_wait3A_226, %dma_wait3A_227] : memref<819200x128xf32, #tpu.memory_space<hbm>> -> memref<128x128xf32, #tpu.memory_space<hbm>>
    %dma_wait3A_229 = arith.constant 0 : i32
    %dma_wait3A_230 = arith.constant 0 : i32
    %dma_wait3A_231 = tpu.memref_slice %arg4[%dma_wait3A_229, %dma_wait3A_230] : memref<819200x128xf32, #tpu.memory_space<hbm>> -> memref<128x128xf32, #tpu.memory_space<hbm>>
    %dma_wait3A_232 = arith.constant 0 : i32
    %dma_wait3A_233 = arith.constant 0 : i32
    %dma_wait3A_234 = tpu.memref_slice %arg6[%dma_wait3A_221, %dma_wait3A_232, %dma_wait3A_233] : memref<6x128x128xf32, #tpu.memory_space<vmem>> -> memref<1x128x128xf32, #tpu.memory_space<vmem>>
    %dma_wait3A_235 = tpu.memref_squeeze %dma_wait3A_234 : memref<1x128x128xf32, #tpu.memory_space<vmem>> -> memref<128x128xf32, #tpu.memory_space<vmem>>
    tpu.wait_dma2 semaphore(%arg9 : memref<!tpu.dma_semaphore, #tpu.memory_space<semaphore_mem>>) src(%dma_wait3A_235 : memref<128x128xf32, #tpu.memory_space<vmem>>) dst(%dma_wait3A_231 : memref<128x128xf32, #tpu.memory_space<hbm>>)
    %dma_wait3A_236 = arith.constant 0 : i32
    %dma_wait3A_237 = arith.constant 0 : i32
    %dma_wait3A_238 = arith.constant 0 : i32
    %dma_wait3A_239 = tpu.memref_slice %arg6[%dma_wait3A_236, %dma_wait3A_237, %dma_wait3A_238] : memref<6x128x128xf32, #tpu.memory_space<vmem>> -> memref<1x128x128xf32, #tpu.memory_space<vmem>>
    %dma_wait3A_240 = tpu.memref_squeeze %dma_wait3A_239 : memref<1x128x128xf32, #tpu.memory_space<vmem>> -> memref<128x128xf32, #tpu.memory_space<vmem>>
    %dma_wait3A_241 = arith.constant 0 : i32
    %dma_wait3A_242 = arith.constant 0 : i32
    %dma_wait3A_243 = tpu.memref_slice %arg4[%dma_wait3A_241, %dma_wait3A_242] : memref<819200x128xf32, #tpu.memory_space<hbm>> -> memref<128x128xf32, #tpu.memory_space<hbm>>
    %dma_wait3A_244 = arith.constant 0 : i32
    %dma_wait3A_245 = arith.constant 0 : i32
    %dma_wait3A_246 = tpu.memref_slice %arg4[%dma_wait3A_244, %dma_wait3A_245] : memref<819200x128xf32, #tpu.memory_space<hbm>> -> memref<128x128xf32, #tpu.memory_space<hbm>>
    %dma_wait3A_247 = arith.constant 0 : i32
    %dma_wait3A_248 = arith.constant 0 : i32
    %dma_wait3A_249 = tpu.memref_slice %arg6[%dma_wait3A_236, %dma_wait3A_247, %dma_wait3A_248] : memref<6x128x128xf32, #tpu.memory_space<vmem>> -> memref<1x128x128xf32, #tpu.memory_space<vmem>>
    %dma_wait3A_250 = tpu.memref_squeeze %dma_wait3A_249 : memref<1x128x128xf32, #tpu.memory_space<vmem>> -> memref<128x128xf32, #tpu.memory_space<vmem>>
    tpu.wait_dma2 semaphore(%arg9 : memref<!tpu.dma_semaphore, #tpu.memory_space<semaphore_mem>>) src(%dma_wait3A_250 : memref<128x128xf32, #tpu.memory_space<vmem>>) dst(%dma_wait3A_246 : memref<128x128xf32, #tpu.memory_space<hbm>>)
    %dma_wait3A_251 = arith.constant 0 : i32
    %dma_wait3A_252 = arith.constant 0 : i32
    %dma_wait3A_253 = arith.constant 0 : i32
    %dma_wait3A_254 = tpu.memref_slice %arg6[%dma_wait3A_251, %dma_wait3A_252, %dma_wait3A_253] : memref<6x128x128xf32, #tpu.memory_space<vmem>> -> memref<1x128x128xf32, #tpu.memory_space<vmem>>
    %dma_wait3A_255 = tpu.memref_squeeze %dma_wait3A_254 : memref<1x128x128xf32, #tpu.memory_space<vmem>> -> memref<128x128xf32, #tpu.memory_space<vmem>>
    %dma_wait3A_256 = arith.constant 0 : i32
    %dma_wait3A_257 = arith.constant 0 : i32
    %dma_wait3A_258 = tpu.memref_slice %arg4[%dma_wait3A_256, %dma_wait3A_257] : memref<819200x128xf32, #tpu.memory_space<hbm>> -> memref<128x128xf32, #tpu.memory_space<hbm>>
    %dma_wait3A_259 = arith.constant 0 : i32
    %dma_wait3A_260 = arith.constant 0 : i32
    %dma_wait3A_261 = tpu.memref_slice %arg4[%dma_wait3A_259, %dma_wait3A_260] : memref<819200x128xf32, #tpu.memory_space<hbm>> -> memref<128x128xf32, #tpu.memory_space<hbm>>
    %dma_wait3A_262 = arith.constant 0 : i32
    %dma_wait3A_263 = arith.constant 0 : i32
    %dma_wait3A_264 = tpu.memref_slice %arg6[%dma_wait3A_251, %dma_wait3A_262, %dma_wait3A_263] : memref<6x128x128xf32, #tpu.memory_space<vmem>> -> memref<1x128x128xf32, #tpu.memory_space<vmem>>
    %dma_wait3A_265 = tpu.memref_squeeze %dma_wait3A_264 : memref<1x128x128xf32, #tpu.memory_space<vmem>> -> memref<128x128xf32, #tpu.memory_space<vmem>>
    tpu.wait_dma2 semaphore(%arg9 : memref<!tpu.dma_semaphore, #tpu.memory_space<semaphore_mem>>) src(%dma_wait3A_265 : memref<128x128xf32, #tpu.memory_space<vmem>>) dst(%dma_wait3A_261 : memref<128x128xf32, #tpu.memory_space<hbm>>)
    %dma_wait3A_266 = arith.constant 0 : i32
    %dma_wait3A_267 = arith.constant 0 : i32
    %dma_wait3A_268 = arith.constant 0 : i32
    %dma_wait3A_269 = tpu.memref_slice %arg6[%dma_wait3A_266, %dma_wait3A_267, %dma_wait3A_268] : memref<6x128x128xf32, #tpu.memory_space<vmem>> -> memref<1x128x128xf32, #tpu.memory_space<vmem>>
    %dma_wait3A_270 = tpu.memref_squeeze %dma_wait3A_269 : memref<1x128x128xf32, #tpu.memory_space<vmem>> -> memref<128x128xf32, #tpu.memory_space<vmem>>
    %dma_wait3A_271 = arith.constant 0 : i32
    %dma_wait3A_272 = arith.constant 0 : i32
    %dma_wait3A_273 = tpu.memref_slice %arg4[%dma_wait3A_271, %dma_wait3A_272] : memref<819200x128xf32, #tpu.memory_space<hbm>> -> memref<128x128xf32, #tpu.memory_space<hbm>>
    %dma_wait3A_274 = arith.constant 0 : i32
    %dma_wait3A_275 = arith.constant 0 : i32
    %dma_wait3A_276 = tpu.memref_slice %arg4[%dma_wait3A_274, %dma_wait3A_275] : memref<819200x128xf32, #tpu.memory_space<hbm>> -> memref<128x128xf32, #tpu.memory_space<hbm>>
    %dma_wait3A_277 = arith.constant 0 : i32
    %dma_wait3A_278 = arith.constant 0 : i32
    %dma_wait3A_279 = tpu.memref_slice %arg6[%dma_wait3A_266, %dma_wait3A_277, %dma_wait3A_278] : memref<6x128x128xf32, #tpu.memory_space<vmem>> -> memref<1x128x128xf32, #tpu.memory_space<vmem>>
    %dma_wait3A_280 = tpu.memref_squeeze %dma_wait3A_279 : memref<1x128x128xf32, #tpu.memory_space<vmem>> -> memref<128x128xf32, #tpu.memory_space<vmem>>
    tpu.wait_dma2 semaphore(%arg9 : memref<!tpu.dma_semaphore, #tpu.memory_space<semaphore_mem>>) src(%dma_wait3A_280 : memref<128x128xf32, #tpu.memory_space<vmem>>) dst(%dma_wait3A_276 : memref<128x128xf32, #tpu.memory_space<hbm>>)
    %dma_wait3A_281 = arith.constant 0 : i32
    %dma_wait3A_282 = arith.constant 0 : i32
    %dma_wait3A_283 = arith.constant 0 : i32
    %dma_wait3A_284 = tpu.memref_slice %arg6[%dma_wait3A_281, %dma_wait3A_282, %dma_wait3A_283] : memref<6x128x128xf32, #tpu.memory_space<vmem>> -> memref<1x128x128xf32, #tpu.memory_space<vmem>>
    %dma_wait3A_285 = tpu.memref_squeeze %dma_wait3A_284 : memref<1x128x128xf32, #tpu.memory_space<vmem>> -> memref<128x128xf32, #tpu.memory_space<vmem>>
    %dma_wait3A_286 = arith.constant 0 : i32
    %dma_wait3A_287 = arith.constant 0 : i32
    %dma_wait3A_288 = tpu.memref_slice %arg4[%dma_wait3A_286, %dma_wait3A_287] : memref<819200x128xf32, #tpu.memory_space<hbm>> -> memref<128x128xf32, #tpu.memory_space<hbm>>
    %dma_wait3A_289 = arith.constant 0 : i32
    %dma_wait3A_290 = arith.constant 0 : i32
    %dma_wait3A_291 = tpu.memref_slice %arg4[%dma_wait3A_289, %dma_wait3A_290] : memref<819200x128xf32, #tpu.memory_space<hbm>> -> memref<128x128xf32, #tpu.memory_space<hbm>>
    %dma_wait3A_292 = arith.constant 0 : i32
    %dma_wait3A_293 = arith.constant 0 : i32
    %dma_wait3A_294 = tpu.memref_slice %arg6[%dma_wait3A_281, %dma_wait3A_292, %dma_wait3A_293] : memref<6x128x128xf32, #tpu.memory_space<vmem>> -> memref<1x128x128xf32, #tpu.memory_space<vmem>>
    %dma_wait3A_295 = tpu.memref_squeeze %dma_wait3A_294 : memref<1x128x128xf32, #tpu.memory_space<vmem>> -> memref<128x128xf32, #tpu.memory_space<vmem>>
    tpu.wait_dma2 semaphore(%arg9 : memref<!tpu.dma_semaphore, #tpu.memory_space<semaphore_mem>>) src(%dma_wait3A_295 : memref<128x128xf32, #tpu.memory_space<vmem>>) dst(%dma_wait3A_291 : memref<128x128xf32, #tpu.memory_space<hbm>>)
    return
  }
}

module attributes {stable_mosaic.version = 14 : i64} {
  func.func @_prep_body(%arg0: memref<32x64xf32, #tpu.memory_space<vmem>>, %arg1: memref<16x64xf32, #tpu.memory_space<vmem>>, %arg2: memref<128x128xf32, #tpu.memory_space<vmem>>, %arg3: memref<1x128xf32, #tpu.memory_space<vmem>>, %arg4: memref<4096x200xi32, #tpu.memory_space<vmem>>, %arg5: memref<4096x200xi32, #tpu.memory_space<vmem>>, %arg6: memref<288x128xf32, #tpu.memory_space<vmem>>, %arg7: memref<4096x200xi32, #tpu.memory_space<vmem>>) attributes {dimension_semantics = [], scalar_prefetch = 0 : i64, scratch_operands = 0 : i64, tpu.core_type = #tpu.core_type<tc>} {
    %get3A = arith.constant 0 : index
    %get3A_0 = arith.constant 0 : index
    %get3A_1 = vector.load %arg4[%get3A, %get3A_0] : memref<4096x200xi32, #tpu.memory_space<vmem>>, vector<4096x200xi32>
    %mul3A = arith.constant 12 : i32
    %mul3A_2 = vector.broadcast %mul3A : i32 to vector<4096x200xi32>
    %mul3A_3 = arith.muli %get3A_1, %mul3A_2 : vector<4096x200xi32>
    %get3A_4 = arith.constant 0 : index
    %get3A_5 = arith.constant 0 : index
    %get3A_6 = vector.load %arg5[%get3A_4, %get3A_5] : memref<4096x200xi32, #tpu.memory_space<vmem>>, vector<4096x200xi32>
    %add3A = arith.addi %mul3A_3, %get3A_6 : vector<4096x200xi32>
    %swap3A = arith.constant 0 : index
    %swap3A_7 = arith.constant 0 : index
    %swap3A_8 = vector.load %arg7[%swap3A, %swap3A_7] : memref<4096x200xi32, #tpu.memory_space<vmem>>, vector<4096x200xi32>
    tpu.vector_store %arg7[%swap3A, %swap3A_7], %add3A {strides = array<i32>} : memref<4096x200xi32, #tpu.memory_space<vmem>>, vector<4096x200xi32>,
    %get3A_9 = arith.constant 0 : index
    %get3A_10 = arith.constant 0 : index
    %get3A_11 = vector.load %arg2[%get3A_9, %get3A_10] : memref<128x128xf32, #tpu.memory_space<vmem>>, vector<128x128xf32>
    %get3A_12 = arith.constant 0 : index
    %get3A_13 = arith.constant 0 : index
    %get3A_14 = vector.load %arg0[%get3A_12, %get3A_13] : memref<32x64xf32, #tpu.memory_space<vmem>>, vector<32x64xf32>
    %slice3A = vector.extract_strided_slice %get3A_11 {offsets = [0, 0], sizes = [128, 64], strides = [1, 1]} : vector<128x128xf32> to vector<128x64xf32>
    %dot_general3A = arith.constant dense<0.000000e+00> : vector<32x128xf32>
    %dot_general3A_15 = tpu.matmul %get3A_14, %slice3A, %dot_general3A {dimension_numbers = #tpu.dot_dimension_numbers<[1], [1], [0], [0], [0, 0, 1, 0], [], []>, precision = #tpu.contract_precision<fp32>, transpose_lhs_hint = false} : vector<32x64xf32>, vector<128x64xf32>, vector<32x128xf32> -> vector<32x128xf32>
    %get3A_16 = arith.constant 0 : index
    %get3A_17 = arith.constant 0 : index
    %get3A_18 = vector.load %arg1[%get3A_16, %get3A_17] : memref<16x64xf32, #tpu.memory_space<vmem>>, vector<16x64xf32>
    %slice3A_19 = vector.extract_strided_slice %get3A_11 {offsets = [0, 64], sizes = [128, 64], strides = [1, 1]} : vector<128x128xf32> to vector<128x64xf32>
    %dot_general3A_20 = arith.constant dense<0.000000e+00> : vector<16x128xf32>
    %dot_general3A_21 = tpu.matmul %get3A_18, %slice3A_19, %dot_general3A_20 {dimension_numbers = #tpu.dot_dimension_numbers<[1], [1], [0], [0], [0, 0, 1, 0], [], []>, precision = #tpu.contract_precision<fp32>, transpose_lhs_hint = false} : vector<16x64xf32>, vector<128x64xf32>, vector<16x128xf32> -> vector<16x128xf32>
    %iota3A = tpu.iota {dimensions = array<i32: 0>} : vector<288x32xi32>
    %iota3A_22 = tpu.iota {dimensions = array<i32: 1>} : vector<288x32xi32>
    %jit3A = arith.constant 12 : i32
    %div3A = vector.broadcast %jit3A : i32 to vector<288x32xi32>
    %div3A_23 = arith.divsi %iota3A, %div3A : vector<288x32xi32>
    %sign3A = arith.constant 0 : i32
    %sign3A_24 = vector.broadcast %sign3A : i32 to vector<288x32xi32>
    %sign3A_25 = arith.cmpi sgt, %iota3A, %sign3A_24 : vector<288x32xi32>
    %sign3A_26 = arith.extui %sign3A_25 : vector<288x32xi1> to vector<288x32xi32>
    %sign3A_27 = arith.constant 0 : i32
    %sign3A_28 = vector.broadcast %sign3A_27 : i32 to vector<288x32xi32>
    %sign3A_29 = arith.cmpi slt, %iota3A, %sign3A_28 : vector<288x32xi32>
    %sign3A_30 = arith.extui %sign3A_29 : vector<288x32xi1> to vector<288x32xi32>
    %sign3A_31 = arith.subi %sign3A_26, %sign3A_30 : vector<288x32xi32>
    %sign3A_32 = arith.constant 0 : i32
    %sign3A_33 = arith.cmpi sgt, %jit3A, %sign3A_32 : i32
    %sign3A_34 = arith.extui %sign3A_33 : i1 to i32
    %sign3A_35 = arith.constant 0 : i32
    %sign3A_36 = arith.cmpi slt, %jit3A, %sign3A_35 : i32
    %sign3A_37 = arith.extui %sign3A_36 : i1 to i32
    %sign3A_38 = arith.subi %sign3A_34, %sign3A_37 : i32
    %ne3A = vector.broadcast %sign3A_38 : i32 to vector<288x32xi32>
    %ne3A_39 = arith.cmpi ne, %sign3A_31, %ne3A : vector<288x32xi32>
    %rem3A = vector.broadcast %jit3A : i32 to vector<288x32xi32>
    %rem3A_40 = arith.remsi %iota3A, %rem3A : vector<288x32xi32>
    %ne3A_41 = arith.constant 0 : i32
    %ne3A_42 = vector.broadcast %ne3A_41 : i32 to vector<288x32xi32>
    %ne3A_43 = arith.cmpi ne, %rem3A_40, %ne3A_42 : vector<288x32xi32>
    %and3A = arith.andi %ne3A_39, %ne3A_43 : vector<288x32xi1>
    %sub3A = arith.constant 1 : i32
    %sub3A_44 = vector.broadcast %sub3A : i32 to vector<288x32xi32>
    %sub3A_45 = arith.subi %div3A_23, %sub3A_44 : vector<288x32xi32>
    %select_n3A = arith.select %and3A, %sub3A_45, %div3A_23 : vector<288x32xi1>, vector<288x32xi32>
    %eq3A = arith.cmpi eq, %select_n3A, %iota3A_22 : vector<288x32xi32>
    %jit3A_46 = arith.constant 1.000000e+00 : f32
    %jit3A_47 = arith.constant 0.000000e+00 : f32
    %broadcast_in_dim3A = vector.broadcast %jit3A_46 : f32 to vector<288x32xf32>
    %broadcast_in_dim3A_48 = vector.broadcast %jit3A_47 : f32 to vector<288x32xf32>
    %select_n3A_49 = arith.select %eq3A, %broadcast_in_dim3A, %broadcast_in_dim3A_48 : vector<288x32xi1>, vector<288x32xf32>
    %iota3A_50 = tpu.iota {dimensions = array<i32: 0>} : vector<288x16xi32>
    %iota3A_51 = tpu.iota {dimensions = array<i32: 1>} : vector<288x16xi32>
    %jit3A_52 = arith.constant 12 : i32
    %eq3A_53 = arith.constant 0 : i32
    %eq3A_54 = arith.cmpi eq, %jit3A_52, %eq3A_53 : i32
    %jit3A_55 = arith.constant 1 : i32
    %select_n3A_56 = arith.select %eq3A_54, %jit3A_55, %jit3A_52 : i32
    %rem3A_57 = vector.broadcast %select_n3A_56 : i32 to vector<288x16xi32>
    %rem3A_58 = arith.remsi %iota3A_50, %rem3A_57 : vector<288x16xi32>
    %ne3A_59 = arith.constant 0 : i32
    %ne3A_60 = vector.broadcast %ne3A_59 : i32 to vector<288x16xi32>
    %ne3A_61 = arith.cmpi ne, %rem3A_58, %ne3A_60 : vector<288x16xi32>
    %lt3A = arith.constant 0 : i32
    %lt3A_62 = vector.broadcast %lt3A : i32 to vector<288x16xi32>
    %lt3A_63 = arith.cmpi slt, %rem3A_58, %lt3A_62 : vector<288x16xi32>
    %lt3A_64 = arith.constant 0 : i32
    %lt3A_65 = arith.cmpi slt, %select_n3A_56, %lt3A_64 : i32
    %ne3A_66 = vector.broadcast %lt3A_65 : i1 to vector<288x16xi1>
    %ne3A_67 = vector.broadcast %ne3A_66 : vector<288x16xi1> to vector<288x16xi1>
    %ne3A_68 = arith.xori %lt3A_63, %ne3A_67 : vector<288x16xi1>
    %and3A_69 = arith.andi %ne3A_68, %ne3A_61 : vector<288x16xi1>
    %add3A_70 = vector.broadcast %select_n3A_56 : i32 to vector<288x16xi32>
    %add3A_71 = arith.addi %rem3A_58, %add3A_70 : vector<288x16xi32>
    %select_n3A_72 = arith.select %and3A_69, %add3A_71, %rem3A_58 : vector<288x16xi1>, vector<288x16xi32>
    %eq3A_73 = arith.cmpi eq, %select_n3A_72, %iota3A_51 : vector<288x16xi32>
    %jit3A_74 = arith.constant 1.000000e+00 : f32
    %jit3A_75 = arith.constant 0.000000e+00 : f32
    %broadcast_in_dim3A_76 = vector.broadcast %jit3A_74 : f32 to vector<288x16xf32>
    %broadcast_in_dim3A_77 = vector.broadcast %jit3A_75 : f32 to vector<288x16xf32>
    %select_n3A_78 = arith.select %eq3A_73, %broadcast_in_dim3A_76, %broadcast_in_dim3A_77 : vector<288x16xi1>, vector<288x16xf32>
    %dot_general3A_79 = arith.constant dense<0.000000e+00> : vector<288x128xf32>
    %dot_general3A_80 = tpu.matmul %select_n3A_49, %dot_general3A_15, %dot_general3A_79 {dimension_numbers = #tpu.dot_dimension_numbers<[1], [0], [0], [1], [0, 0, 1, 1], [], []>, precision = #tpu.contract_precision<fp32>, transpose_lhs_hint = false} : vector<288x32xf32>, vector<32x128xf32>, vector<288x128xf32> -> vector<288x128xf32>
    %dot_general3A_81 = arith.constant dense<0.000000e+00> : vector<288x128xf32>
    %dot_general3A_82 = tpu.matmul %select_n3A_78, %dot_general3A_21, %dot_general3A_81 {dimension_numbers = #tpu.dot_dimension_numbers<[1], [0], [0], [1], [0, 0, 1, 1], [], []>, precision = #tpu.contract_precision<fp32>, transpose_lhs_hint = false} : vector<288x16xf32>, vector<16x128xf32>, vector<288x128xf32> -> vector<288x128xf32>
    %add3A_83 = arith.addf %dot_general3A_80, %dot_general3A_82 : vector<288x128xf32>
    %get3A_84 = arith.constant 0 : index
    %get3A_85 = arith.constant 0 : index
    %get3A_86 = vector.load %arg3[%get3A_84, %get3A_85] : memref<1x128xf32, #tpu.memory_space<vmem>>, vector<1x128xf32>
    %add3A_87 = vector.broadcast %get3A_86 : vector<1x128xf32> to vector<288x128xf32>
    %add3A_88 = arith.addf %add3A_83, %add3A_87 : vector<288x128xf32>
    %swap3A_89 = arith.constant 0 : index
    %swap3A_90 = arith.constant 0 : index
    %swap3A_91 = vector.load %arg6[%swap3A_89, %swap3A_90] : memref<288x128xf32, #tpu.memory_space<vmem>>, vector<288x128xf32>
    tpu.vector_store %arg6[%swap3A_89, %swap3A_90], %add3A_88 {strides = array<i32>} : memref<288x128xf32, #tpu.memory_space<vmem>>, vector<288x128xf32>,
    return
  }
}

</mosaic_0001>

<sc_bundles>
// kernel: kernel.4.cloned.1.call-start
scs
__scs_entry_jumppad:
0x0: {  	(pc) =	sbr.rel $0x88, $3  }
0x1: {  	(tag) =	ssettag $0x0;
	lr =	simm.s32 $0x1  }
0x2: {  	[smem:$0x3F9B] =	sst lr;
	_ =	strace $0xD0000000  }
0x3: {  	_ = 	snop  }
0x4: {  	_ = 	snop  }
0x5: {  	_ = 	snop  }
0x6: {  	_ = 	snop  }
0x7: {  	_ = 	snop  }
__scs_overlays_trampoline_lowered:
0x8: {  	[smem:$0x3FAA] =	sst s0  }
0x9: {  	[smem:$0x3FAB] =	sst s1  }
0xa: {  	[smem:$0x3FAC] =	sst s2  }
0xb: {  	[smem:$0x3FAD] =	sst s3  }
0xc: {  	[smem:$0x3FAE] =	sst s4  }
0xd: {  	[smem:$0x3FAF] =	sst s5  }
0xe: {  	[smem:$0x3FB0] =	sst s6  }
0xf: {  	[smem:$0x3FB1] =	sst s7  }
0x10: {  	[smem:$0x3FB2] =	sst s8  }
0x11: {  	[smem:$0x3FB3] =	sst s9;
	s0 =	simm.s32 @!p0 $0x0  }
0x12: {  	s1 =	sld [smem:$0x3F99];
	s0 =	simm.s32 @p0 $0x1  }
0x13: {  	[smem:$0x3FB4] =	sst s0;
	s0 =	simm.s32 @!p1 $0x0  }
0x14: {  	s2 =	sld [smem:$0x3F98];
	s0 =	simm.s32 @p1 $0x1  }
0x15: {  	[smem:$0x3FB5] =	sst s0;
	s0 =	simm.s32 @!p2 $0x0  }
0x16: {  	s3 =	sld [smem:$0x3FDB];
	s0 =	simm.s32 @p2 $0x1  }
0x17: {  	s4 =	simm.s32 $0x1BF5;
	[smem:$0x3FB7] =	sst s0  }
0x18: {  	s0 =	sld [smem:$0x3F9A];
	_ =	swait.ge [sflag:s4], $0x0  }
0x19: {  	s7 =	sld [smem:$0x3F9B]  }
0x1a: {  	s8 =	sadd.s32 $0xFFFFE003, lr  }
0x1b: {  	s9 =	sadd.s32 $0xFFFFFEF7, lr;
	s5 =	simm.s32 $0xFFFFFFFF;
	p2 =	slt.u32 s8, $0xFFFFF086  }
0x1c: {  	p1 =	slt.u32 s9, $0xF7A;
	s5 =	simm.s32 @!p2 $0x0  }
0x1d: {  	s5 =	simm.s32 @p1 $0x1;
	p0 =	seq.s32 s7, s2  }
0x1e: {  	s7 =	smul.u32 @!p0 $0xF7A, s2;
	p2 =	seq.s32 @!p0 s5, $0x0  }
0x1f: {  	s9 =	smul.u32 $0xF7A, s1;
	s8 =	simm.s32 @!p0 $0x1BF5;
	p2 =	por !p2, p0  }
0x20: {  	[sflag:s8] =	ssyncset.s32 @!p0 $0xFFFFF086;
	s6 =	sadd.s32 @!p0 s3, s7;
	s7 =	simm.s32 @!p0 $0x108  }
0x21: {  	s3 =	sadd.s32 s3, s9;
	s6 =	sadd.s32 @!p0 $0x88, s6;
	s7 =	simm.s32 @p2 $0x1082  }
0x22: {  	[simem:s7], [sflag:s8] =	dma.local @!p0 [hbm:s6], $0xF7A  }
0x23: {  	s9 =	sor.u32 $0xD0000000, s2;
	s6 =	simm.s32 $0x108;
	_ =	swait.ge @!p0 [sflag:s8], $0x0  }
0x24: {  	s3 =	sadd.s32 $0x88, s3;
	s6 =	simm.s32 @!p1 $0x1082;
	[sflag:s4] =	ssyncset.s32 $0xFFFFF086  }
0x25: {  	[simem:s6], [sflag:s4] =	dma.local [hbm:s3], $0xF7A  }
0x26: {  	[smem:$0x3F9B] =	sst s1;
	(tag) =	ssettag s2;
	_ =	strace s9  }
0x27: {  	s1 =	sld [smem:$0x3FAB]  }
0x28: {  	s2 =	sld [smem:$0x3FAC]  }
0x29: {  	s4 =	sld [smem:$0x3FAE]  }
0x2a: {  	p0 =	seq.s32 s5, $0x0;
	s5 =	sld [smem:$0x3FAF]  }
0x2b: {  	s6 =	sld [smem:$0x3FB0]  }
0x2c: {  	s7 =	sld [smem:$0x3FB1]  }
0x2d: {  	s3 =	simm.s32 $0x108;
	s8 =	sld [smem:$0x3FB2]  }
0x2e: {  	s3 =	simm.s32 @!p0 $0x1082;
	s9 =	sld [smem:$0x3FB3]  }
0x2f: {  	lr =	sadd.s32 s0, s3;
	s0 =	sld [smem:$0x3FAA]  }
0x30: {  	s3 =	sld [smem:$0x3FAD]  }
0x31: {  	[smem:$0x3FB6] =	sst s10  }
0x32: {  	s10 =	sld [smem:$0x3FB4];
	_ =	sdelay $0x3  }
0x33: {  	p0 =	seq.s32 s10, $0x1;
	s10 =	sld [smem:$0x3FB6];
	_ =	sdelay $0x3  }
0x34: {  	[smem:$0x3FB6] =	sst s10  }
0x35: {  	s10 =	sld [smem:$0x3FB5];
	_ =	sdelay $0x3  }
0x36: {  	p1 =	seq.s32 s10, $0x1;
	s10 =	sld [smem:$0x3FB6];
	_ =	sdelay $0x3  }
0x37: {  	[smem:$0x3FB6] =	sst s10  }
0x38: {  	s10 =	sld [smem:$0x3FB7]  }
0x39: {  	_ = 	snop;
	(pc) =	sbr.ind lr, $3  }
0x3a: {  	_ = 	snop  }
0x3b: {  	_ = 	snop  }
0x3c: {  	p2 =	seq.s32 s10, $0x1;
	s10 =	sld [smem:$0x3FB6]  }
0x3d: {  	_ =	shalt  }
0x3e: {  	_ =	shalt  }
0x3f: {  	_ =	shalt  }
0x40: {  	_ =	shalt  }
0x41: {  	_ =	shalt  }
0x42: {  	_ =	shalt  }
0x43: {  	_ =	shalt  }
0x44: {  	_ =	shalt  }
0x45: {  	_ =	shalt  }
0x46: {  	_ =	shalt  }
0x47: {  	_ =	shalt  }
0x48: {  	_ =	shalt  }
0x49: {  	_ =	shalt  }
0x4a: {  	_ =	shalt  }
0x4b: {  	_ =	shalt  }
0x4c: {  	_ =	shalt  }
0x4d: {  	_ =	shalt  }
0x4e: {  	_ =	shalt  }
0x4f: {  	_ =	shalt  }
0x50: {  	_ =	shalt  }
0x51: {  	_ =	shalt  }
0x52: {  	_ =	shalt  }
0x53: {  	_ =	shalt  }
0x54: {  	_ =	shalt  }
0x55: {  	_ =	shalt  }
0x56: {  	_ =	shalt  }
0x57: {  	_ =	shalt  }
0x58: {  	_ =	shalt  }
0x59: {  	_ =	shalt  }
0x5a: {  	_ =	shalt  }
0x5b: {  	_ =	shalt  }
0x5c: {  	_ =	shalt  }
0x5d: {  	_ =	shalt  }
0x5e: {  	_ =	shalt  }
0x5f: {  	_ =	shalt  }
0x60: {  	_ =	shalt  }
0x61: {  	_ =	shalt  }
0x62: {  	_ =	shalt  }
0x63: {  	_ =	shalt  }
0x64: {  	_ =	shalt  }
0x65: {  	_ =	shalt  }
0x66: {  	_ =	shalt  }
0x67: {  	_ =	shalt  }
0x68: {  	_ =	shalt  }
0x69: {  	_ =	shalt  }
0x6a: {  	_ =	shalt  }
0x6b: {  	_ =	shalt  }
0x6c: {  	_ =	shalt  }
0x6d: {  	_ =	shalt  }
0x6e: {  	_ =	shalt  }
0x6f: {  	_ =	shalt  }
0x70: {  	_ =	shalt  }
0x71: {  	_ =	shalt  }
0x72: {  	_ =	shalt  }
0x73: {  	_ =	shalt  }
0x74: {  	_ =	shalt  }
0x75: {  	_ =	shalt  }
0x76: {  	_ =	shalt  }
0x77: {  	_ =	shalt  }
0x78: {  	_ =	shalt  }
0x79: {  	_ =	shalt  }
0x7a: {  	_ =	shalt  }
0x7b: {  	_ =	shalt  }
0x7c: {  	_ =	shalt  }
0x7d: {  	_ =	shalt  }
0x7e: {  	_ =	shalt  }
0x7f: {  	_ =	shalt  }
0x80: {  	_ =	shalt  }
0x81: {  	_ =	shalt  }
0x82: {  	_ =	shalt  }
0x83: {  	_ =	shalt  }
0x84: {  	_ =	shalt  }
0x85: {  	_ =	shalt  }
0x86: {  	_ =	shalt  }
0x87: {  	_ =	shalt  }
.Lfunc_end0:
.L_simem_size_0:
called_computation_lowered:
.L_overlay_start_0:
0x88: {  	s2 =	sld [smem:$0x3FD9]  }
0x89: {  	s3 =	sld [smem:$0x3FFE];
	_ =	sdelay $0x1  }
0x8a: {  	s1 =	srdreg.scid  }
0x8b: {  	s0 =	sand.u32 $0x1, s1  }
0x8c: {  	s17 =	sshll.u32 s0, $0xA;
	s2 =	sadd.s32 s3, s2  }
0x8d: {  	s2 =	sadd.s32 s2, s17  }
0x8e: {  	[smem:$0x3FC2] =	sst s2  }
0x8f: {  	_ = 	snop  }
0x90: {  	s2 =	sld [smem:$0x3FD0];
	(tm) =	ssettm $0x1  }
0x91: {  	s18 =	sld [smem:$0x3FFB];
	_ =	sdelay $0x3  }
0x92: {  	_ =	strace s18  }
0x93: {  	s3 =	sld [smem:$0x3FFC];
	_ =	sdelay $0x3  }
0x94: {  	_ =	strace s3  }
0x95: {  	s3 =	sld [smem:$0x3FFD];
	_ =	sdelay $0x3  }
0x96: {  	_ =	strace s3  }
0x97: {  	_ =	strace $0x8FFFFFFF  }
0x98: {  	s19 =	sld [smem:$0x3FDB];
	_ =	sdelay $0x1  }
0x99: {  	s4 =	simm.s32 $_scs_section_size  }
0x9a: {  	s5 =	simm.s32 $_size__tile_overlayer_lowered;
	s6 =	simm.s32 $_tile_overlayer_lowered  }
0x9b: {  	s22 =	simm.s32 $0x1BFF;
	s21 =	sshll.u32 s6, $0x1;
	s3 =	sadd.s32 s4, s19  }
0x9c: {  	s7 =	simm.s32 $0x0;
	s20 =	sshll.u32 s5, $0x1;
	s5 =	sadd.s32 s21, s3  }
0x9d: {  	[timem:s7], [sflag:s22] =	dma.local [hbm:s5], s20  }
0x9e: {  	_ =	swait.ge [sflag:s22], s20  }
0x9f: {  	s4 =	ssub.s32 $0x0, s20;
	[sflag:s22] =	ssyncset.done $0x0  }
0xa0: {  	[sflag:s22] =	ssyncadd.s32 s4;
	_ =	sdelay $0x1  }
0xa1: {  	s23 =	simm.s32 $0x1B8B  }
0xa2: {  	_ =	swait.ge [sflag:s23], $0x1  }
0xa3: {  	[sflag:s23] =	ssyncset.done $0x0  }
0xa4: {  	s25 =	simm.s32 $0x1B8E;
	s24 =	sld [smem:$0x3FFE];
	[sflag:s23] =	ssyncadd.s32 $0xFFFFFFFF  }
0xa5: {  	s26 =	simm.s32 $execute0_lowered;
	[smem:$0x3FD2] =	sst s25  }
0xa6: {  	s5 =	sshll.u32 s26, $0x1;
	_ =	strace $0x80000046;
	[dreg:$0x1] =	wrdreg $0xFFFFFFFF  }
0xa7: {  	s28 =	simm.s32 $_size_execute0_lowered;
	s3 =	sadd.s32 s3, s5;
	[dreg:$0x0] =	wrdreg $0x0  }
0xa8: {  	s5 =	sshll.u32 s28, $0x1;
	[dreg:$0x2] =	wrdreg s3  }
0xa9: {  	[dreg:$0x3] =	wrdreg s5  }
0xaa: {  	[dreg:$0x4] =	wrdreg $0xC0  }
0xab: {  	_ =	task [dreg:s7], $0x5FFFF  }
0xac: {  	[dreg:$0x1] =	wrdreg $0xFFFFFFFF  }
0xad: {  	[dreg:$0x0] =	wrdreg $0x60  }
0xae: {  	[dreg:$0x2] =	wrdreg s24  }
0xaf: {  	[dreg:$0x3] =	wrdreg s2  }
0xb0: {  	[dreg:$0x4] =	wrdreg $0x1E4000  }
0xb1: {  	[dreg:$0x5] =	wrdreg $0x9  }
0xb2: {  	_ =	task.clear_ibuf [dreg:s7], $0x6FFFF;
	_ =	strace $0x90000046  }
0xb3: {  	s29 =	simm.s32 $0x9;
	_ =	strace $0x80000048  }
0xb4: {  	_ =	swait.ge [sflag:s29], $0x1  }
0xb5: {  	[sflag:s29] =	ssyncadd.s32 $0xFFFFFFFF  }
0xb6: {  	_ =	strace $0x90000048  }
0xb7: {  	_ =	sfence  }
0xb8: {  	s30 =	sld [smem:$0x0];
	_ =	sdelay $0x2  }
0xb9: {  	s31 =	sshll.u32 s1, $0xD;
	s1 =	sshrl.u32 s1, $0x2  }
0xba: {  	s3 =	sand.u32 $0x4000, s31;
	s1 =	sadd.s32 s1, s30  }
0xbb: {  	s0 =	sor.u32 s3, s0;
	s1 =	sshll.u32 s1, $0x11  }
0xbc: {  	s0 =	sor.u32 s1, s0  }
0xbd: {  	s0 =	sadd.s32 $0x8F2B, s0  }
0xbe: {  	[sflag:s0] =	ssyncadd.remote.s32 $0x1  }
0xbf: {  	_ =	sfence.sel $0xFFFF  }
0xc0: {  	[dreg:$0x0] =	wrdreg $0xFFFFFFFF;
	(pc) =	sbr.abs _section_cstart, $3  }
0xc1: {  	[dreg:$0x1] =	wrdreg $0xFFFFFFFF  }
0xc2: {  	_ =	task.clear_ibuf [dreg:s7], $0x2FFFF;
	_ =	strace $0x9FFFFFFF  }
0xc3: {  	(tm) =	ssettm $0x7FFFFFFF  }
tec
execute0_lowered:
.L_overlay_start_1:
0x0: {  	(tag) =	ssettag $0x1  }
0x1: {  	s0 =	rddreg [dreg:$0x0];
	s1 =	srdreg.scid  }
0x2: {  	s12 =	stileid.u32;
	s11 =	rddreg [dreg:$0x1];
	s14 =	simm.s32 $0x80  }
0x3: {  	s15 =	simm.s32 $0x6400;
	s16 =	simm.s32 $0xA400;
	s19 =	simm.s32 $0x1  }
0x4: {  	s24 =	simm.s32 $0x2;
	s25 =	simm.s32 $0x1A400;
	s26 =	simm.s32 $0x0  }
0x5: {  	s4 =	sand.u32 $0x1, s1;
	s2 =	sshll.u32 s12, $0x1;
	s9 =	smul.u32 $0x640000, s12  }
0x6: {  	s1 =	rddreg [dreg:$0x2];
	s3 =	sor.u32 s4, s2;
	s10 =	smul.u32 $0x320000, s4  }
0x7: {  	p0 =	sne.s32 s12, $0x0;
	s2 =	simm.s32 $0x0;
	s5 =	smul.u32 $0xC80, s3  }
0x8: {  	s8 =	ssub.s32 $0x2, s4;
	s12 =	sshrl.u32 @!p0 s1, $0x3;
	s6 =	smul.u32 $0x64000, s3  }
0x9: {  	[smem:$0x7FF] =	sst s2;
	s7 =	smul.u32 $0x320000, s3;
	s28 =	sshrl.u32 s8, $0x1  }
0xa: {  	s3 =	sadd.s32 $0xE00, s0;
	_ =	strace $0x80000047;
	s13 =	ssub.s32 s8, s28  }
0xb: {  	s30 =	sadd.s32 s10, s9;
	s0 =	sadd.s32 s5, s0;
	s29 =	sshrl.u32 s7, $0x3  }
0xc: {  	s5 =	sadd.s32 s11, s6;
	s10 =	sor.u32 $0x8000, s30;
	s4 =	sadd.s32 $0x2000, s0  }
0xd: {  	s0 =	sadd.s32 s11, s29;
	s6 =	sadd.s32 $0x800, s5;
	s31 =	sshrl.u32 s10, $0x3  }
0xe: {  	s10 =	smax.u32 s13, $0x1;
	s13 =	simm.s32 $0x3;
	s7 =	sadd.s32 $0x62800, s0  }
0xf: {  	s8 =	sadd.s32 $0x63000, s0;
	s9 =	sadd.s32 $0x63800, s0;
	s11 =	sadd.s32 s31, s11  }
.LBB2_1:
0x10: {  	s0 =	simm.s32 @!p0 $0x1C03  }
0x11: {  	[spmem:s12], [sflag:s0] =	dma.local @!p0 [hbm:s3], $0x1200  }
0x12: {  	s0 =	simm.s32 @!p0 $0x3  }
0x13: {  	_ =	swait.ge @!p0 [sflag:s0], $0x1200  }
0x14: {  	[sflag:s0] =	ssyncset.done @!p0 $0x0  }
0x15: {  	[sflag:s0] =	ssyncadd.s32 @!p0 $0xFFFFEE00  }
0x16: {  	[tilespmem:s2], [sflag:$0x3] =	stream.linear.gather [hbm4b:s4+s2], $0x6400, $0x38;
	[tilespmem:$0x1ED00] =	vst v63  }
0x17: {  	_ =	swait.ge [sflag:s13], $0x6400  }
0x18: {  	[sflag:s13] =	ssyncset.done $0x0  }
0x19: {  	[sflag:s13] =	ssyncadd.s32 $0xFFFF9C00  }
0x1a: {  	[bflag:$0x0] =	sbarrier.arrive $0xFFFF  }
0x1b: {  	[tilespmem:s15], [sflag:$0x1] =	stream.indirect.gather [spmem:s1], $0x80, s2, s14, $0xb8;
	[tilespmem:$0x1ED00] =	vst v63  }
0x1c: {  	_ = 	snop  }
0x1d: {  	[tilespmem:s16], [sflag:$0x1] =	stream.indirect.gather [spmem:s1], $0x80, s14, s14, $0xb8;
	[tilespmem:$0x1ED00] =	vst v63  }
0x1e: {  	s23 =	simm.s32 $0x100;
	s17 =	simm.s32 $0xE400;
	s21 =	simm.s32 $0x2  }
0x1f: {  	[tilespmem:s17], [sflag:$0x1] =	stream.indirect.gather [spmem:s1], $0x80, s23, s14, $0xb8;
	[tilespmem:$0x1ED00] =	vst v63  }
0x20: {  	s0 =	smul.u32 $0xAB, s21;
	_ =	swait.ge [sflag:s19], $0x4000  }
0x21: {  	[sflag:s19] =	ssyncset.done $0x0  }
0x22: {  	s18 =	simm.s32 $0x180;
	s0 =	sshrl.u32 s0, $0xA;
	[sflag:s19] =	ssyncadd.s32 $0xFFFFC000  }
0x23: {  	[hbm4b:s5+s2] =	stream.linear.scatter [tilespmem:s15], [sflag:$0x2], $0x4000, $0x38;
	[tilespmem:$0x1ED00] =	vst v63  }
0x24: {  	s20 =	simm.s32 $0x12400;
	s22 =	simm.s32 $0x5;
	s0 =	sand.u32 $0x3F, s0  }
0x25: {  	[tilespmem:s20], [sflag:$0x1] =	stream.indirect.gather [spmem:s1], $0x80, s18, s14, $0xb8;
	[tilespmem:$0x1ED00] =	vst v63  }
0x26: {  	s30 =	simm.s32 $0x280;
	s0 =	smul.u32 $0x6, s0;
	_ =	swait.ge [sflag:s19], $0x4000  }
0x27: {  	s28 =	simm.s32 $0x6;
	s17 =	sand.u32 $0xFF, s22;
	[sflag:s19] =	ssyncset.done $0x0  }
0x28: {  	s0 =	ssub.s32 $0x2, s0;
	s17 =	smul.u32 $0xAB, s17;
	[sflag:s19] =	ssyncadd.s32 $0xFFFFC000  }
0x29: {  	[hbm4b:s6+s2] =	stream.linear.scatter [tilespmem:s16], [sflag:$0x2], $0x4000, $0x38;
	[tilespmem:$0x1ED00] =	vst v63  }
0x2a: {  	s17 =	sshrl.u32 s17, $0xA;
	s18 =	simm.s32 $0x200;
	s20 =	simm.s32 $0x16400  }
0x2b: {  	[tilespmem:s20], [sflag:$0x1] =	stream.indirect.gather [spmem:s1], $0x80, s18, s14, $0xb8;
	[tilespmem:$0x1ED00] =	vst v63  }
0x2c: {  	s0 =	sand.u32 $0xFF, s0;
	s17 =	smul.u32 $0x6, s17;
	_ =	swait.ge [sflag:s19], $0x4000  }
0x2d: {  	s29 =	simm.s32 $0x300;
	s0 =	sshll.u32 s0, $0xE;
	[sflag:s19] =	ssyncset.done $0x0  }
0x2e: {  	s0 =	sadd.s32 $0x6400, s0;
	s17 =	ssub.s32 $0x5, s17;
	[sflag:s19] =	ssyncadd.s32 $0xFFFFC000  }
0x2f: {  	[hbm4b:s11+s2] =	stream.linear.scatter [tilespmem:s0], [sflag:$0x2], $0x4000, $0x38;
	[tilespmem:$0x1ED00] =	vst v63  }
0x30: {  	s31 =	smov.u32 s11;
	s23 =	sand.u32 $0xFF, s17;
	s0 =	simm.s32 $0x3  }
0x31: {  	s18 =	simm.s32 $0x7;
	s20 =	sshll.u32 s23, $0xE;
	s17 =	smul.u32 $0xAB, s0  }
.LBB2_2:
0x32: {  	s20 =	sadd.s32 $0x6400, s20  }
0x33: {  	s31 =	sadd.s32 $0x800, s31;
	s21 =	smov.u32 s28;
	s28 =	smov.u32 s18  }
0x34: {  	s22 =	sadd.s32 $0x1, s18;
	s23 =	smov.u32 s30;
	s17 =	sshrl.u32 s17, $0xA  }
0x35: {  	p1 =	sne.s32 s18, $0xC7;
	s30 =	smov.u32 s29;
	s17 =	sand.u32 $0x3F, s17  }
0x36: {  	s17 =	smul.u32 $0x6, s17  }
0x37: {  	s18 =	sand.u32 $0xFF, s21  }
0x38: {  	s18 =	smul.u32 $0xAB, s18;
	_ =	swait.ge [sflag:s24], $0x4000;
	s0 =	ssub.s32 s0, s17  }
0x39: {  	[sflag:s24] =	ssyncset.done $0x0;
	s0 =	sand.u32 $0xFF, s0  }
0x3a: {  	s17 =	sshrl.u32 s18, $0xA;
	[sflag:s24] =	ssyncadd.s32 $0xFFFFC000;
	s0 =	sshll.u32 s0, $0xE  }
0x3b: {  	s29 =	sadd.s32 $0x80, s29;
	s17 =	smul.u32 $0x6, s17;
	s18 =	sadd.s32 $0x6400, s0  }
0x3c: {  	[tilespmem:s20], [sflag:$0x1] =	stream.indirect.gather [spmem:s1], $0x80, s23, s14, $0xb8;
	[tilespmem:$0x1ED00] =	vst v63  }
.Ltmp0:
0x3d: {  	s17 =	ssub.s32 s21, s17;
	_ =	swait.ge [sflag:s19], $0x4000;
	(pc) =	sbr.rel @p1 .LBB2_2-.Ltmp0, $4  }
0x3e: {  	s0 =	sadd.s32 $0xFFFFFFFD, s28;
	s20 =	sand.u32 $0xFF, s17;
	[sflag:s19] =	ssyncset.done $0x0  }
0x3f: {  	s17 =	smul.u32 $0xAB, s0;
	s20 =	sshll.u32 s20, $0xE;
	[sflag:s19] =	ssyncadd.s32 $0xFFFFC000  }
0x40: {  	[hbm4b:s31+s2] =	stream.linear.scatter [tilespmem:s18], [sflag:$0x2], $0x4000, $0x38;
	[tilespmem:$0x1ED00] =	vst v63  }
0x41: {  	s18 =	smov.u32 s22  }
0x42: {  	s17 =	sshrl.u32 s17, $0xA;
	s18 =	sand.u32 $0xFF, s28;
	_ =	swait.ge [sflag:s24], $0x4000  }
0x43: {  	s17 =	sand.u32 $0x3F, s17;
	s18 =	smul.u32 $0xAB, s18;
	[sflag:s24] =	ssyncset.done $0x0  }
0x44: {  	s20 =	sadd.s32 $0x6400, s20;
	s17 =	smul.u32 $0x6, s17;
	[sflag:s24] =	ssyncadd.s32 $0xFFFFC000  }
0x45: {  	[tilespmem:s20], [sflag:$0x1] =	stream.indirect.gather [spmem:s1], $0x80, s30, s14, $0xb8;
	[tilespmem:$0x1ED00] =	vst v63  }
0x46: {  	s23 =	sshrl.u32 s18, $0xA;
	s0 =	ssub.s32 s0, s17  }
0x47: {  	s17 =	smul.u32 $0x6, s23;
	_ =	swait.ge [sflag:s19], $0x4000;
	s0 =	sand.u32 $0xFF, s0  }
0x48: {  	s30 =	sadd.s32 $0x800, s31;
	[sflag:s19] =	ssyncset.done $0x0;
	s0 =	sshll.u32 s0, $0xE  }
0x49: {  	s17 =	ssub.s32 s28, s17;
	[sflag:s19] =	ssyncadd.s32 $0xFFFFC000;
	s0 =	sadd.s32 $0x6400, s0  }
0x4a: {  	[hbm4b:s30+s2] =	stream.linear.scatter [tilespmem:s0], [sflag:$0x2], $0x4000, $0x38;
	[tilespmem:$0x1ED00] =	vst v63  }
0x4b: {  	s31 =	sand.u32 $0xFF, s17;
	_ =	swait.ge [sflag:s24], $0x4000  }
0x4c: {  	s0 =	sshll.u32 s31, $0xE;
	[sflag:s24] =	ssyncset.done $0x0  }
0x4d: {  	s0 =	sadd.s32 $0x6400, s0;
	[sflag:s24] =	ssyncadd.s32 $0xFFFFC000  }
0x4e: {  	[tilespmem:s0], [sflag:$0x1] =	stream.indirect.gather [spmem:s1], $0x80, s29, s14, $0xb8;
	[tilespmem:$0x1ED00] =	vst v63  }
0x4f: {  	_ =	swait.ge [sflag:s19], $0x4000  }
0x50: {  	[sflag:s19] =	ssyncset.done $0x0  }
0x51: {  	[sflag:s19] =	ssyncadd.s32 $0xFFFFC000  }
0x52: {  	[hbm4b:s7+s2] =	stream.linear.scatter [tilespmem:s25], [sflag:$0x2], $0x4000, $0x38;
	[tilespmem:$0x1ED00] =	vst v63  }
0x53: {  	_ =	swait.ge [sflag:s19], $0x4000  }
0x54: {  	[sflag:s19] =	ssyncset.done $0x0  }
0x55: {  	[sflag:s19] =	ssyncadd.s32 $0xFFFFC000  }
0x56: {  	[hbm4b:s8+s2] =	stream.linear.scatter [tilespmem:s15], [sflag:$0x2], $0x4000, $0x38;
	[tilespmem:$0x1ED00] =	vst v63  }
0x57: {  	_ =	swait.ge [sflag:s19], $0x4000  }
0x58: {  	[sflag:s19] =	ssyncset.done $0x0  }
0x59: {  	[sflag:s19] =	ssyncadd.s32 $0xFFFFC000  }
0x5a: {  	[hbm4b:s9+s2] =	stream.linear.scatter [tilespmem:s16], [sflag:$0x2], $0x4000, $0x38;
	[tilespmem:$0x1ED00] =	vst v63  }
0x5b: {  	_ =	swait.ge [sflag:s24], $0x4000  }
0x5c: {  	[sflag:s24] =	ssyncset.done $0x0  }
0x5d: {  	[sflag:s24] =	ssyncadd.s32 $0xFFFFC000  }
0x5e: {  	_ =	swait.ge [sflag:s24], $0x4000  }
0x5f: {  	[sflag:s24] =	ssyncset.done $0x0  }
0x60: {  	[sflag:s24] =	ssyncadd.s32 $0xFFFFC000  }
0x61: {  	_ =	swait.ge [sflag:s24], $0x4000  }
0x62: {  	[sflag:s24] =	ssyncset.done $0x0  }
0x63: {  	s26 =	sadd.s32 $0x1, s26;
	[sflag:s24] =	ssyncadd.s32 $0xFFFFC000  }
0x64: {  	p1 =	sne.s32 s26, s10;
	_ =	swait.ge [sflag:s24], $0x4000  }
.Ltmp1:
0x65: {  	[sflag:s24] =	ssyncset.done $0x0;
	(pc) =	sbr.rel @p1 .LBB2_1-.Ltmp1, $4  }
0x66: {  	[sflag:s24] =	ssyncadd.s32 $0xFFFFC000  }
0x67: {  	_ =	swait.ge [sflag:s24], $0x4000  }
0x68: {  	[sflag:s24] =	ssyncset.done $0x0  }
0x69: {  	[sflag:s24] =	ssyncadd.s32 $0xFFFFC000  }
0x6a: {  	_ =	sfence.sel $0x180000  }
0x6b: {  	[bflag:$0x0] =	sbarrier.arrive $0xFFFF  }
0x6c: {  	_ =	strace $0x90000047  }
0x6d: {  	[bflag:$0x2] =	sbarrier.arrive $0xFFFF  }
0x6e: {  	s0 =	rddreg [dreg:$0x3]  }
0x6f: {  	s0 =	sadd.s32 @!p0 $0x100000, s0  }
0x70: {  	[sflag:s0] =	ssyncadd.tile.s32 @!p0 $0x1;
	_ =	shalt  }
.Lfunc_end2:
_tile_overlayer_lowered:
.L_overlay_start_2:
0x71: {  	(tag) =	ssettag $0x2  }
0x72: {  	s0 =	rddreg [dreg:$0x0];
	s2 =	stileid.u32  }
0x73: {  	s1 =	rddreg [dreg:$0x1];
	p0 =	sne.s32 s2, $0x0  }
0x74: {  	s3 =	rddreg [dreg:$0x2];
	[bflag:$0x3] =	sbarrier.arrive $0xFFFF;
	s2 =	simm.s32 @!p0 $0x1C03  }
0x75: {  	[timem:s3], [sflag:s2] =	dma.local @!p0 [hbm:s0], s1  }
0x76: {  	s0 =	simm.s32 @!p0 $0x3  }
0x77: {  	_ =	swait.ge @!p0 [sflag:s0], s1  }
0x78: {  	s1 =	ssub.s32 @!p0 $0x0, s1;
	[sflag:s0] =	ssyncset.done @!p0 $0x0  }
0x79: {  	[sflag:s0] =	ssyncadd.s32 @!p0 s1  }
0x7a: {  	[bflag:$0x3] =	sbarrier.arrive $0xFFFF  }
0x7b: {  	_ =	shalt  }

</sc_bundles>
